<compile_context>
chip_gen: v7x
topology: tpu7x:2x2x1
jax: 0.10.2.dev20260603
libtpu: 0.0.44.dev20260713+nightly
codegen_flags: <defaults>
</compile_context>

<pallas_src>
import functools
import math

import jax
import jax.numpy as jnp
from jax import lax
from jax.experimental import pallas as pl
from jax.experimental.pallas import tpu as pltpu
from jax.experimental.pallas import tpu_sc as plsc

N = 10000
C = 128
E = 320000
NUM_LAYERS = 3
ALPHA = 0.1
THETA = 0.5

NC, NS = 2, 16
NW = NC * NS
K = 128
G = 80
EPT = G * K
E_PAD = NW * EPT
R = G // 2
KD = 128
GD = E_PAD // (NW * KD)
ROWS_PAD = 10240
RPT = ROWS_PAD // NS

BM = 1000


@functools.cache
def _sc_kernels():
    mesh = plsc.VectorSubcoreMesh(core_axis_name="c", subcore_axis_name="s",
                                  num_cores=NC, num_subcores=NS)

    @functools.partial(
        pl.kernel,
        out_type=jax.ShapeDtypeStruct((NC, ROWS_PAD, C), jnp.float32),
        mesh=mesh,
        scratch_types=[
            pltpu.VMEM((K,), jnp.int32),
            pltpu.VMEM((K,), jnp.int32),
            pltpu.VMEM((K, C), jnp.float32),
            pltpu.VMEM_SHARED((ROWS_PAD, C), jnp.float32),
            pltpu.SemaphoreType.DMA,
        ],
    )
    def sc_scatter(row_hbm, col_hbm, y_hbm, zeros_hbm, z_out,
                   ridx, cidx, rows, shared, sem):
        c = lax.axis_index("c")
        s = lax.axis_index("s")
        wid = c * NS + s
        pltpu.sync_copy(zeros_hbm, shared.at[pl.ds(s * RPT, RPT)])
        plsc.subcore_barrier()
        base = wid * EPT

        def body(g, carry):
            off = base + g * K
            pltpu.sync_copy(row_hbm.at[pl.ds(off, K)], ridx)
            pltpu.async_copy(y_hbm.at[ridx], rows, sem).wait()
            pltpu.sync_copy(col_hbm.at[pl.ds(off, K)], cidx)
            pltpu.sync_copy(rows, shared.at[cidx], add=True)
            return carry

        lax.fori_loop(0, G, body, 0)
        plsc.subcore_barrier()
        pltpu.sync_copy(shared.at[pl.ds(s * RPT, RPT)],
                        z_out.at[c, pl.ds(s * RPT, RPT)])

    @functools.partial(
        pl.kernel,
        out_type=jax.ShapeDtypeStruct((NC, ROWS_PAD, C), jnp.float32),
        mesh=mesh,
        scratch_types=[
            pltpu.VMEM((KD,), jnp.int32),
            pltpu.VMEM((KD, C), jnp.float32),
            pltpu.VMEM_SHARED((ROWS_PAD, C), jnp.float32),
        ],
    )
    def sc_degree(col_hbm, ones_hbm, zeros_hbm, z_out, cidx, ones_v, shared):
        c = lax.axis_index("c")
        s = lax.axis_index("s")
        wid = c * NS + s
        pltpu.sync_copy(zeros_hbm, shared.at[pl.ds(s * RPT, RPT)])
        pltpu.sync_copy(ones_hbm, ones_v)
        plsc.subcore_barrier()
        base = wid * EPT

        def body(g, carry):
            pltpu.sync_copy(col_hbm.at[pl.ds(base + g * KD, KD)], cidx)
            pltpu.sync_copy(ones_v, shared.at[cidx], add=True)
            return carry

        lax.fori_loop(0, GD, body, 0)
        plsc.subcore_barrier()
        pltpu.sync_copy(shared.at[pl.ds(s * RPT, RPT)],
                        z_out.at[c, pl.ds(s * RPT, RPT)])

    return sc_degree, sc_scatter



def _fc1_body(nf, w, b, degw, x0_ref, y0_ref, dinv_ref):
    deg = degw[0, :, 0:1] + degw[1, :, 0:1] + 1.0
    dinv = lax.rsqrt(deg)
    x = jnp.maximum(
        jax.lax.dot_general(nf[...], w[...], (((1,), (0,)), ((), ())),
                            precision=lax.Precision.HIGHEST,
                            preferred_element_type=jnp.float32) + b[...], 0.0)
    x0_ref[...] = x
    y0_ref[...] = x * dinv
    dinv_ref[...] = jnp.broadcast_to(dinv, (BM, 16))


def _fc1(nf, w, b, degw):
    grid = (N // BM,)
    return pl.pallas_call(
        _fc1_body,
        grid=grid,
        in_specs=[
            pl.BlockSpec((BM, C), lambda i: (i, 0)),
            pl.BlockSpec((C, C), lambda i: (0, 0)),
            pl.BlockSpec((1, C), lambda i: (0, 0)),
            pl.BlockSpec((NC, BM, C), lambda i: (0, i, 0)),
        ],
        out_specs=[
            pl.BlockSpec((BM, C), lambda i: (i, 0)),
            pl.BlockSpec((BM, C), lambda i: (i, 0)),
            pl.BlockSpec((BM, 16), lambda i: (i, 0)),
        ],
        out_shape=[
            jax.ShapeDtypeStruct((N, C), jnp.float32),
            jax.ShapeDtypeStruct((N, C), jnp.float32),
            jax.ShapeDtypeStruct((N, 16), jnp.float32),
        ],
    )(nf, w, b, degw)


def _layer_body(z, y, x0, dinv, wp, y_ref):
    h = (z[0] + z[1] + y[...]) * dinv[:, 0:1]
    h = (1.0 - ALPHA) * h + ALPHA * x0[...]
    x = jnp.maximum(
        jax.lax.dot_general(h, wp[...], (((1,), (0,)), ((), ())),
                            precision=lax.Precision.HIGHEST,
                            preferred_element_type=jnp.float32), 0.0)
    y_ref[...] = x * dinv[:, 0:1]


def _layer(z, y, x0, dinv, wp):
    grid = (N // BM,)
    return pl.pallas_call(
        _layer_body,
        grid=grid,
        in_specs=[
            pl.BlockSpec((NC, BM, C), lambda i: (0, i, 0)),
            pl.BlockSpec((BM, C), lambda i: (i, 0)),
            pl.BlockSpec((BM, C), lambda i: (i, 0)),
            pl.BlockSpec((BM, 16), lambda i: (i, 0)),
            pl.BlockSpec((C, C), lambda i: (0, 0)),
        ],
        out_specs=pl.BlockSpec((BM, C), lambda i: (i, 0)),
        out_shape=jax.ShapeDtypeStruct((N, C), jnp.float32),
    )(z, y, x0, dinv, wp)


def _final_body(z, y, x0, dinv, wp, w2, b2, out_ref):
    h = (z[0] + z[1] + y[...]) * dinv[:, 0:1]
    h = (1.0 - ALPHA) * h + ALPHA * x0[...]
    x = jnp.maximum(
        jax.lax.dot_general(h, wp[...], (((1,), (0,)), ((), ())),
                            precision=lax.Precision.HIGHEST,
                            preferred_element_type=jnp.float32), 0.0)
    out_ref[...] = jax.lax.dot_general(
        x, w2[...], (((1,), (0,)), ((), ())),
        precision=lax.Precision.HIGHEST,
        preferred_element_type=jnp.float32) + b2[...]


def _final(z, y, x0, dinv, wp, w2, b2):
    grid = (N // BM,)
    return pl.pallas_call(
        _final_body,
        grid=grid,
        in_specs=[
            pl.BlockSpec((NC, BM, C), lambda i: (0, i, 0)),
            pl.BlockSpec((BM, C), lambda i: (i, 0)),
            pl.BlockSpec((BM, C), lambda i: (i, 0)),
            pl.BlockSpec((BM, 16), lambda i: (i, 0)),
            pl.BlockSpec((C, C), lambda i: (0, 0)),
            pl.BlockSpec((C, C), lambda i: (0, 0)),
            pl.BlockSpec((1, C), lambda i: (0, 0)),
        ],
        out_specs=pl.BlockSpec((BM, C), lambda i: (i, 0)),
        out_shape=jax.ShapeDtypeStruct((N, C), jnp.float32),
    )(z, y, x0, dinv, wp, w2, b2)



def kernel(node_features, edges, fc1_w, fc1_b, w1, w2, w3, fc2_w, fc2_b):
    row = jnp.concatenate(
        [edges[0].astype(jnp.int32), jnp.zeros((E_PAD - E,), jnp.int32)])
    col = jnp.concatenate(
        [edges[1].astype(jnp.int32),
         jnp.full((E_PAD - E,), N, jnp.int32)])
    eye = jnp.eye(C, dtype=jnp.float32)
    wps = []
    for i, w in enumerate((w1, w2, w3)):
        beta = math.log(THETA / (i + 1) + 1.0)
        wps.append(beta * w + (1.0 - beta) * eye)
    zeros_c = jnp.zeros((RPT, C), jnp.float32)
    ones_c = jnp.ones((KD, C), jnp.float32)
    b1 = fc1_b.reshape(1, C)
    b2 = fc2_b.reshape(1, C)

    sc_degree, sc_scatter = _sc_kernels()
    degz = sc_degree(col, ones_c, zeros_c)
    x0, y, dinv = _fc1(node_features, fc1_w, b1, degz)
    for i in range(NUM_LAYERS):
        z = sc_scatter(row, col, y, zeros_c)
        if i < NUM_LAYERS - 1:
            y = _layer(z, y, x0, dinv, wps[i])
        else:
            return _final(z, y, x0, dinv, wps[i], fc2_w, b2)

# --- scband reference (transcript-rebuilt; emitter-appended) ---
"""Pipeline reference for scband-gcn2-56324201120339 (READ-ONLY COPY).

The authoritative reference and input builder live on the scoring server;
editing this copy changes nothing except your own understanding.
"""

import jax, jax.numpy as jnp
import numpy as np
import math

N_NODES = 10000
N_EDGES = 320000
IN_CH = 128
HID = 128
OUT_CH = 128
NUM_LAYERS = 3
ALPHA = 0.1
THETA = 0.5


def setup_inputs(seed: int = 0) -> dict:
    key = jax.random.key(seed)
    ks = jax.random.split(key, 10)
    node_features = jax.random.normal(ks[0], (N_NODES, IN_CH), dtype=jnp.float32)
    edges = jax.random.randint(ks[1], (2, N_EDGES), 0, N_NODES, dtype=jnp.int64)
    fc1_w = jax.random.normal(ks[2], (IN_CH, HID), dtype=jnp.float32) * 0.05
    fc1_b = jnp.zeros((HID,), dtype=jnp.float32)
    w1 = jax.random.normal(ks[3], (HID, HID), dtype=jnp.float32) * 0.05
    w2 = jax.random.normal(ks[4], (HID, HID), dtype=jnp.float32) * 0.05
    w3 = jax.random.normal(ks[5], (HID, HID), dtype=jnp.float32) * 0.05
    fc2_w = jax.random.normal(ks[6], (HID, OUT_CH), dtype=jnp.float32) * 0.05
    fc2_b = jnp.zeros((OUT_CH,), dtype=jnp.float32)
    return {"node_features": node_features, "edges": edges, "fc1_w": fc1_w, "fc1_b": fc1_b, "w1": w1, "w2": w2, "w3": w3, "fc2_w": fc2_w, "fc2_b": fc2_b}


def _gcn_norm(edges, n):
    # add self loops, symmetric GCN normalization (as in PyG gcn_norm)
    loop = jnp.arange(n, dtype=edges.dtype)
    row = jnp.concatenate([edges[0], loop])
    col = jnp.concatenate([edges[1], loop])
    deg = jnp.zeros((n,), dtype=jnp.float32).at[col].add(1.0)
    dinv = jnp.where(deg > 0, deg ** -0.5, 0.0)
    norm = dinv[row] * dinv[col]
    return row, col, norm


def _propagate(x, row, col, norm, n):
    msg = x[row] * norm[:, None]
    return jnp.zeros((n, x.shape[1]), dtype=x.dtype).at[col].add(msg)


def reference(node_features, edges, fc1_w, fc1_b, w1, w2, w3, fc2_w, fc2_b):
    n = node_features.shape[0]
    row, col, norm = _gcn_norm(edges, n)
    x = jax.nn.relu(node_features @ fc1_w + fc1_b)
    x0 = x
    ws = [w1, w2, w3]
    for i in range(NUM_LAYERS):
        layer = i + 1
        beta = math.log(THETA / layer + 1.0)
        h = _propagate(x, row, col, norm, n)
        h = h * (1.0 - ALPHA) + ALPHA * x0
        # shared_weights=True branch of PyG GCN2Conv:
        # out = (1-beta)*h + beta*(h @ W)
        x = (1.0 - beta) * h + beta * (h @ ws[i])
        x = jax.nn.relu(x)
        # dropout p=0.0 -> identity
    out = x @ fc2_w + fc2_b
    return out

if __name__ == "__main__":
    import jax
    _d = setup_inputs()
    print(jax.jit(kernel)(*tuple(_d.values())))

</pallas_src>

<mosaic_0001>
#map = affine_map<(d0, d1) -> (0)>
#map1 = affine_map<(d0, d1) -> (0, 0)>
#map2 = affine_map<(d0, d1) -> (0, 0, 0)>
module attributes {stable_mosaic.version = 14 : i64} {
  func.func @sc_scatter(%arg0: i32, %arg1: i32, %arg2: memref<327680xi32, #tpu.memory_space<hbm>>, %arg3: memref<327680xi32, #tpu.memory_space<hbm>>, %arg4: memref<10000x128xf32, #tpu.memory_space<hbm>>, %arg5: memref<640x128xf32, #tpu.memory_space<hbm>>, %arg6: memref<2x10240x128xf32, #tpu.memory_space<hbm>>, %arg7: memref<128xi32, #tpu.memory_space<vmem>>, %arg8: memref<128xi32, #tpu.memory_space<vmem>>, %arg9: memref<128x128xf32, #tpu.memory_space<vmem>>, %arg10: memref<10240x128xf32, #tpu.memory_space<vmem_shared>>, %arg11: memref<!tpu.dma_semaphore, #tpu.memory_space<semaphore_mem>>) attributes {dimension_semantics = [#tpu.dimension_semantics<core_parallel>, #tpu.dimension_semantics<subcore_parallel>], iteration_bounds = array<i64: 2, 16>, scalar_prefetch = 0 : i64, scratch_operands = 5 : i64, tpu.core_type = #tpu.core_type<sc_vector_subcore>, window_params = [{transform_indices = #map}, {transform_indices = #map}, {transform_indices = #map1}, {transform_indices = #map1}, {transform_indices = #map2}]} {
    %mul3A = arith.constant 16 : i32
    %mul3A_0 = arith.muli %arg0, %mul3A : i32
    %add3A = arith.addi %mul3A_0, %arg1 : i32
    %mul3A_1 = arith.constant 640 : i32
    %mul3A_2 = arith.muli %arg1, %mul3A_1 : i32
    "tpu.region"() ({
      %run_scoped3A = tpu.sem_alloc : memref<!tpu.dma_semaphore, #tpu.memory_space<semaphore_mem>>
      %dma_start3A = arith.constant 0 : i32
      %dma_start3A_15 = tpu.memref_slice %arg10[%mul3A_2, %dma_start3A] : memref<10240x128xf32, #tpu.memory_space<vmem_shared>> -> memref<640x128xf32, #tpu.memory_space<vmem_shared>>
      tpu.enqueue_dma source(%arg5 : memref<640x128xf32, #tpu.memory_space<hbm>>) target(%dma_start3A_15 : memref<640x128xf32, #tpu.memory_space<vmem_shared>>) target_semaphore(%run_scoped3A : memref<!tpu.dma_semaphore, #tpu.memory_space<semaphore_mem>>)
      %dma_wait3A = arith.constant 0 : i32
      %dma_wait3A_16 = tpu.memref_slice %arg10[%mul3A_2, %dma_wait3A] : memref<10240x128xf32, #tpu.memory_space<vmem_shared>> -> memref<640x128xf32, #tpu.memory_space<vmem_shared>>
      tpu.wait_dma2 semaphore(%run_scoped3A : memref<!tpu.dma_semaphore, #tpu.memory_space<semaphore_mem>>) src(%arg5 : memref<640x128xf32, #tpu.memory_space<hbm>>) dst(%dma_wait3A_16 : memref<640x128xf32, #tpu.memory_space<vmem_shared>>)
      tpu.yield
    }) : () -> ()
    %barrier3A = arith.constant 0 : index
    tpu.barrier barrier_id(%barrier3A)
    %mul3A_3 = arith.constant 10240 : i32
    %mul3A_4 = arith.muli %add3A, %mul3A_3 : i32
    %scan3A = arith.constant 0 : i32
    %scan3A_5 = arith.constant 0 : i32
    %scan3A_6 = arith.constant 80 : i32
    %scan3A_7 = arith.addi %scan3A_5, %scan3A_6 : i32
    %scan3A_8 = arith.constant 1 : i32
    scf.for %scan3A_15 = %scan3A_5 to %scan3A_7 step %scan3A_8  : i32 {
      %mul3A_16 = arith.constant 128 : i32
      %mul3A_17 = arith.muli %scan3A_15, %mul3A_16 : i32
      %add3A_18 = arith.addi %mul3A_4, %mul3A_17 : i32
      "tpu.region"() ({
        %run_scoped3A = tpu.sem_alloc : memref<!tpu.dma_semaphore, #tpu.memory_space<semaphore_mem>>
        %dma_start3A_23 = tpu.memref_slice %arg2[%add3A_18] : memref<327680xi32, #tpu.memory_space<hbm>> -> memref<128xi32, #tpu.memory_space<hbm>>
        %dma_start3A_24 = tpu.memref_slice %arg2[%add3A_18] : memref<327680xi32, #tpu.memory_space<hbm>> -> memref<128xi32, #tpu.memory_space<hbm>>
        tpu.enqueue_dma source(%dma_start3A_24 : memref<128xi32, #tpu.memory_space<hbm>>) target(%arg7 : memref<128xi32, #tpu.memory_space<vmem>>) target_semaphore(%run_scoped3A : memref<!tpu.dma_semaphore, #tpu.memory_space<semaphore_mem>>)
        %dma_wait3A_25 = tpu.memref_slice %arg2[%add3A_18] : memref<327680xi32, #tpu.memory_space<hbm>> -> memref<128xi32, #tpu.memory_space<hbm>>
        %dma_wait3A_26 = tpu.memref_slice %arg2[%add3A_18] : memref<327680xi32, #tpu.memory_space<hbm>> -> memref<128xi32, #tpu.memory_space<hbm>>
        tpu.wait_dma2 semaphore(%run_scoped3A : memref<!tpu.dma_semaphore, #tpu.memory_space<semaphore_mem>>) src(%dma_wait3A_26 : memref<128xi32, #tpu.memory_space<hbm>>) dst(%arg7 : memref<128xi32, #tpu.memory_space<vmem>>)
        tpu.yield
      }) : () -> ()
      %dma_start3A = arith.constant 0 : i32
      %dma_start3A_19 = arith.constant 0 : i32
      %dma_start3A_20 = tpu.memref_slice %arg4[%dma_start3A, %dma_start3A_19] : memref<10000x128xf32, #tpu.memory_space<hbm>> -> memref<10000x128xf32, #tpu.memory_space<hbm>>
      tpu.enqueue_indirect_dma source(%dma_start3A_20 : memref<10000x128xf32, #tpu.memory_space<hbm>>) target(%arg9 : memref<128x128xf32, #tpu.memory_space<vmem>>) offsets(%arg7 : memref<128xi32, #tpu.memory_space<vmem>>) semaphore(%arg11 : memref<!tpu.dma_semaphore, #tpu.memory_space<semaphore_mem>>)
      %dma_wait3A = arith.constant 0 : i32
      %dma_wait3A_21 = arith.constant 0 : i32
      %dma_wait3A_22 = tpu.memref_slice %arg4[%dma_wait3A, %dma_wait3A_21] : memref<10000x128xf32, #tpu.memory_space<hbm>> -> memref<10000x128xf32, #tpu.memory_space<hbm>>
      tpu.wait_indirect_dma semaphore(%arg11 : memref<!tpu.dma_semaphore, #tpu.memory_space<semaphore_mem>>) src(%dma_wait3A_22 : memref<10000x128xf32, #tpu.memory_space<hbm>>) dst(%arg9 : memref<128x128xf32, #tpu.memory_space<vmem>>)
      "tpu.region"() ({
        %run_scoped3A = tpu.sem_alloc : memref<!tpu.dma_semaphore, #tpu.memory_space<semaphore_mem>>
        %dma_start3A_23 = tpu.memref_slice %arg3[%add3A_18] : memref<327680xi32, #tpu.memory_space<hbm>> -> memref<128xi32, #tpu.memory_space<hbm>>
        %dma_start3A_24 = tpu.memref_slice %arg3[%add3A_18] : memref<327680xi32, #tpu.memory_space<hbm>> -> memref<128xi32, #tpu.memory_space<hbm>>
        tpu.enqueue_dma source(%dma_start3A_24 : memref<128xi32, #tpu.memory_space<hbm>>) target(%arg8 : memref<128xi32, #tpu.memory_space<vmem>>) target_semaphore(%run_scoped3A : memref<!tpu.dma_semaphore, #tpu.memory_space<semaphore_mem>>)
        %dma_wait3A_25 = tpu.memref_slice %arg3[%add3A_18] : memref<327680xi32, #tpu.memory_space<hbm>> -> memref<128xi32, #tpu.memory_space<hbm>>
        %dma_wait3A_26 = tpu.memref_slice %arg3[%add3A_18] : memref<327680xi32, #tpu.memory_space<hbm>> -> memref<128xi32, #tpu.memory_space<hbm>>
        tpu.wait_dma2 semaphore(%run_scoped3A : memref<!tpu.dma_semaphore, #tpu.memory_space<semaphore_mem>>) src(%dma_wait3A_26 : memref<128xi32, #tpu.memory_space<hbm>>) dst(%arg8 : memref<128xi32, #tpu.memory_space<vmem>>)
        tpu.yield
      }) : () -> ()
      "tpu.region"() ({
        %run_scoped3A = tpu.sem_alloc : memref<!tpu.dma_semaphore, #tpu.memory_space<semaphore_mem>>
        %dma_start3A_23 = arith.constant 0 : i32
        %dma_start3A_24 = arith.constant 0 : i32
        %dma_start3A_25 = tpu.memref_slice %arg10[%dma_start3A_23, %dma_start3A_24] : memref<10240x128xf32, #tpu.memory_space<vmem_shared>> -> memref<10240x128xf32, #tpu.memory_space<vmem_shared>>
        tpu.enqueue_indirect_dma source(%arg9 : memref<128x128xf32, #tpu.memory_space<vmem>>) target(%dma_start3A_25 : memref<10240x128xf32, #tpu.memory_space<vmem_shared>>) offsets(%arg8 : memref<128xi32, #tpu.memory_space<vmem>>) semaphore(%run_scoped3A : memref<!tpu.dma_semaphore, #tpu.memory_space<semaphore_mem>>) {add = true}
        %dma_wait3A_26 = arith.constant 0 : i32
        %dma_wait3A_27 = arith.constant 0 : i32
        %dma_wait3A_28 = tpu.memref_slice %arg10[%dma_wait3A_26, %dma_wait3A_27] : memref<10240x128xf32, #tpu.memory_space<vmem_shared>> -> memref<10240x128xf32, #tpu.memory_space<vmem_shared>>
        tpu.wait_indirect_dma semaphore(%run_scoped3A : memref<!tpu.dma_semaphore, #tpu.memory_space<semaphore_mem>>) src(%arg9 : memref<128x128xf32, #tpu.memory_space<vmem>>) dst(%dma_wait3A_28 : memref<10240x128xf32, #tpu.memory_space<vmem_shared>>)
        tpu.yield
      }) : () -> ()
    }
    %scan3A_9 = arith.constant 80 : i32
    %barrier3A_10 = arith.constant 0 : index
    tpu.barrier barrier_id(%barrier3A_10)
    %mul3A_11 = arith.constant 640 : i32
    %mul3A_12 = arith.muli %arg1, %mul3A_11 : i32
    %mul3A_13 = arith.constant 640 : i32
    %mul3A_14 = arith.muli %arg1, %mul3A_13 : i32
    "tpu.region"() ({
      %run_scoped3A = tpu.sem_alloc : memref<!tpu.dma_semaphore, #tpu.memory_space<semaphore_mem>>
      %dma_start3A = arith.constant 0 : i32
      %dma_start3A_15 = tpu.memref_slice %arg6[%arg0, %mul3A_14, %dma_start3A] : memref<2x10240x128xf32, #tpu.memory_space<hbm>> -> memref<1x640x128xf32, #tpu.memory_space<hbm>>
      %dma_start3A_16 = tpu.memref_squeeze %dma_start3A_15 : memref<1x640x128xf32, #tpu.memory_space<hbm>> -> memref<640x128xf32, #tpu.memory_space<hbm>>
      %dma_start3A_17 = arith.constant 0 : i32
      %dma_start3A_18 = tpu.memref_slice %arg10[%mul3A_12, %dma_start3A_17] : memref<10240x128xf32, #tpu.memory_space<vmem_shared>> -> memref<640x128xf32, #tpu.memory_space<vmem_shared>>
      tpu.enqueue_dma source(%dma_start3A_18 : memref<640x128xf32, #tpu.memory_space<vmem_shared>>) target(%dma_start3A_16 : memref<640x128xf32, #tpu.memory_space<hbm>>) target_semaphore(%run_scoped3A : memref<!tpu.dma_semaphore, #tpu.memory_space<semaphore_mem>>)
      %dma_wait3A = arith.constant 0 : i32
      %dma_wait3A_19 = tpu.memref_slice %arg6[%arg0, %mul3A_14, %dma_wait3A] : memref<2x10240x128xf32, #tpu.memory_space<hbm>> -> memref<1x640x128xf32, #tpu.memory_space<hbm>>
      %dma_wait3A_20 = tpu.memref_squeeze %dma_wait3A_19 : memref<1x640x128xf32, #tpu.memory_space<hbm>> -> memref<640x128xf32, #tpu.memory_space<hbm>>
      %dma_wait3A_21 = arith.constant 0 : i32
      %dma_wait3A_22 = tpu.memref_slice %arg10[%mul3A_12, %dma_wait3A_21] : memref<10240x128xf32, #tpu.memory_space<vmem_shared>> -> memref<640x128xf32, #tpu.memory_space<vmem_shared>>
      tpu.wait_dma2 semaphore(%run_scoped3A : memref<!tpu.dma_semaphore, #tpu.memory_space<semaphore_mem>>) src(%dma_wait3A_22 : memref<640x128xf32, #tpu.memory_space<vmem_shared>>) dst(%dma_wait3A_20 : memref<640x128xf32, #tpu.memory_space<hbm>>)
      tpu.yield
    }) : () -> ()
    return
  }
}

#map = affine_map<(d0, d1) -> (0)>
#map1 = affine_map<(d0, d1) -> (0, 0)>
#map2 = affine_map<(d0, d1) -> (0, 0, 0)>
module attributes {stable_mosaic.version = 14 : i64} {
  func.func @sc_degree(%arg0: i32, %arg1: i32, %arg2: memref<327680xi32, #tpu.memory_space<hbm>>, %arg3: memref<128x128xf32, #tpu.memory_space<hbm>>, %arg4: memref<640x128xf32, #tpu.memory_space<hbm>>, %arg5: memref<2x10240x128xf32, #tpu.memory_space<hbm>>, %arg6: memref<128xi32, #tpu.memory_space<vmem>>, %arg7: memref<128x128xf32, #tpu.memory_space<vmem>>, %arg8: memref<10240x128xf32, #tpu.memory_space<vmem_shared>>) attributes {dimension_semantics = [#tpu.dimension_semantics<core_parallel>, #tpu.dimension_semantics<subcore_parallel>], iteration_bounds = array<i64: 2, 16>, scalar_prefetch = 0 : i64, scratch_operands = 3 : i64, tpu.core_type = #tpu.core_type<sc_vector_subcore>, window_params = [{transform_indices = #map}, {transform_indices = #map1}, {transform_indices = #map1}, {transform_indices = #map2}]} {
    %mul3A = arith.constant 16 : i32
    %mul3A_0 = arith.muli %arg0, %mul3A : i32
    %add3A = arith.addi %mul3A_0, %arg1 : i32
    %mul3A_1 = arith.constant 640 : i32
    %mul3A_2 = arith.muli %arg1, %mul3A_1 : i32
    "tpu.region"() ({
      %run_scoped3A = tpu.sem_alloc : memref<!tpu.dma_semaphore, #tpu.memory_space<semaphore_mem>>
      %dma_start3A = arith.constant 0 : i32
      %dma_start3A_15 = tpu.memref_slice %arg8[%mul3A_2, %dma_start3A] : memref<10240x128xf32, #tpu.memory_space<vmem_shared>> -> memref<640x128xf32, #tpu.memory_space<vmem_shared>>
      tpu.enqueue_dma source(%arg4 : memref<640x128xf32, #tpu.memory_space<hbm>>) target(%dma_start3A_15 : memref<640x128xf32, #tpu.memory_space<vmem_shared>>) target_semaphore(%run_scoped3A : memref<!tpu.dma_semaphore, #tpu.memory_space<semaphore_mem>>)
      %dma_wait3A = arith.constant 0 : i32
      %dma_wait3A_16 = tpu.memref_slice %arg8[%mul3A_2, %dma_wait3A] : memref<10240x128xf32, #tpu.memory_space<vmem_shared>> -> memref<640x128xf32, #tpu.memory_space<vmem_shared>>
      tpu.wait_dma2 semaphore(%run_scoped3A : memref<!tpu.dma_semaphore, #tpu.memory_space<semaphore_mem>>) src(%arg4 : memref<640x128xf32, #tpu.memory_space<hbm>>) dst(%dma_wait3A_16 : memref<640x128xf32, #tpu.memory_space<vmem_shared>>)
      tpu.yield
    }) : () -> ()
    "tpu.region"() ({
      %run_scoped3A = tpu.sem_alloc : memref<!tpu.dma_semaphore, #tpu.memory_space<semaphore_mem>>
      tpu.enqueue_dma source(%arg3 : memref<128x128xf32, #tpu.memory_space<hbm>>) target(%arg7 : memref<128x128xf32, #tpu.memory_space<vmem>>) target_semaphore(%run_scoped3A : memref<!tpu.dma_semaphore, #tpu.memory_space<semaphore_mem>>)
      tpu.wait_dma2 semaphore(%run_scoped3A : memref<!tpu.dma_semaphore, #tpu.memory_space<semaphore_mem>>) src(%arg3 : memref<128x128xf32, #tpu.memory_space<hbm>>) dst(%arg7 : memref<128x128xf32, #tpu.memory_space<vmem>>)
      tpu.yield
    }) : () -> ()
    %barrier3A = arith.constant 0 : index
    tpu.barrier barrier_id(%barrier3A)
    %mul3A_3 = arith.constant 10240 : i32
    %mul3A_4 = arith.muli %add3A, %mul3A_3 : i32
    %scan3A = arith.constant 0 : i32
    %scan3A_5 = arith.constant 0 : i32
    %scan3A_6 = arith.constant 80 : i32
    %scan3A_7 = arith.addi %scan3A_5, %scan3A_6 : i32
    %scan3A_8 = arith.constant 1 : i32
    scf.for %scan3A_15 = %scan3A_5 to %scan3A_7 step %scan3A_8  : i32 {
      %mul3A_16 = arith.constant 128 : i32
      %mul3A_17 = arith.muli %scan3A_15, %mul3A_16 : i32
      %add3A_18 = arith.addi %mul3A_4, %mul3A_17 : i32
      "tpu.region"() ({
        %run_scoped3A = tpu.sem_alloc : memref<!tpu.dma_semaphore, #tpu.memory_space<semaphore_mem>>
        %dma_start3A = tpu.memref_slice %arg2[%add3A_18] : memref<327680xi32, #tpu.memory_space<hbm>> -> memref<128xi32, #tpu.memory_space<hbm>>
        %dma_start3A_19 = tpu.memref_slice %arg2[%add3A_18] : memref<327680xi32, #tpu.memory_space<hbm>> -> memref<128xi32, #tpu.memory_space<hbm>>
        tpu.enqueue_dma source(%dma_start3A_19 : memref<128xi32, #tpu.memory_space<hbm>>) target(%arg6 : memref<128xi32, #tpu.memory_space<vmem>>) target_semaphore(%run_scoped3A : memref<!tpu.dma_semaphore, #tpu.memory_space<semaphore_mem>>)
        %dma_wait3A = tpu.memref_slice %arg2[%add3A_18] : memref<327680xi32, #tpu.memory_space<hbm>> -> memref<128xi32, #tpu.memory_space<hbm>>
        %dma_wait3A_20 = tpu.memref_slice %arg2[%add3A_18] : memref<327680xi32, #tpu.memory_space<hbm>> -> memref<128xi32, #tpu.memory_space<hbm>>
        tpu.wait_dma2 semaphore(%run_scoped3A : memref<!tpu.dma_semaphore, #tpu.memory_space<semaphore_mem>>) src(%dma_wait3A_20 : memref<128xi32, #tpu.memory_space<hbm>>) dst(%arg6 : memref<128xi32, #tpu.memory_space<vmem>>)
        tpu.yield
      }) : () -> ()
      "tpu.region"() ({
        %run_scoped3A = tpu.sem_alloc : memref<!tpu.dma_semaphore, #tpu.memory_space<semaphore_mem>>
        %dma_start3A = arith.constant 0 : i32
        %dma_start3A_19 = arith.constant 0 : i32
        %dma_start3A_20 = tpu.memref_slice %arg8[%dma_start3A, %dma_start3A_19] : memref<10240x128xf32, #tpu.memory_space<vmem_shared>> -> memref<10240x128xf32, #tpu.memory_space<vmem_shared>>
        tpu.enqueue_indirect_dma source(%arg7 : memref<128x128xf32, #tpu.memory_space<vmem>>) target(%dma_start3A_20 : memref<10240x128xf32, #tpu.memory_space<vmem_shared>>) offsets(%arg6 : memref<128xi32, #tpu.memory_space<vmem>>) semaphore(%run_scoped3A : memref<!tpu.dma_semaphore, #tpu.memory_space<semaphore_mem>>) {add = true}
        %dma_wait3A = arith.constant 0 : i32
        %dma_wait3A_21 = arith.constant 0 : i32
        %dma_wait3A_22 = tpu.memref_slice %arg8[%dma_wait3A, %dma_wait3A_21] : memref<10240x128xf32, #tpu.memory_space<vmem_shared>> -> memref<10240x128xf32, #tpu.memory_space<vmem_shared>>
        tpu.wait_indirect_dma semaphore(%run_scoped3A : memref<!tpu.dma_semaphore, #tpu.memory_space<semaphore_mem>>) src(%arg7 : memref<128x128xf32, #tpu.memory_space<vmem>>) dst(%dma_wait3A_22 : memref<10240x128xf32, #tpu.memory_space<vmem_shared>>)
        tpu.yield
      }) : () -> ()
    }
    %scan3A_9 = arith.constant 80 : i32
    %barrier3A_10 = arith.constant 0 : index
    tpu.barrier barrier_id(%barrier3A_10)
    %mul3A_11 = arith.constant 640 : i32
    %mul3A_12 = arith.muli %arg1, %mul3A_11 : i32
    %mul3A_13 = arith.constant 640 : i32
    %mul3A_14 = arith.muli %arg1, %mul3A_13 : i32
    "tpu.region"() ({
      %run_scoped3A = tpu.sem_alloc : memref<!tpu.dma_semaphore, #tpu.memory_space<semaphore_mem>>
      %dma_start3A = arith.constant 0 : i32
      %dma_start3A_15 = tpu.memref_slice %arg5[%arg0, %mul3A_14, %dma_start3A] : memref<2x10240x128xf32, #tpu.memory_space<hbm>> -> memref<1x640x128xf32, #tpu.memory_space<hbm>>
      %dma_start3A_16 = tpu.memref_squeeze %dma_start3A_15 : memref<1x640x128xf32, #tpu.memory_space<hbm>> -> memref<640x128xf32, #tpu.memory_space<hbm>>
      %dma_start3A_17 = arith.constant 0 : i32
      %dma_start3A_18 = tpu.memref_slice %arg8[%mul3A_12, %dma_start3A_17] : memref<10240x128xf32, #tpu.memory_space<vmem_shared>> -> memref<640x128xf32, #tpu.memory_space<vmem_shared>>
      tpu.enqueue_dma source(%dma_start3A_18 : memref<640x128xf32, #tpu.memory_space<vmem_shared>>) target(%dma_start3A_16 : memref<640x128xf32, #tpu.memory_space<hbm>>) target_semaphore(%run_scoped3A : memref<!tpu.dma_semaphore, #tpu.memory_space<semaphore_mem>>)
      %dma_wait3A = arith.constant 0 : i32
      %dma_wait3A_19 = tpu.memref_slice %arg5[%arg0, %mul3A_14, %dma_wait3A] : memref<2x10240x128xf32, #tpu.memory_space<hbm>> -> memref<1x640x128xf32, #tpu.memory_space<hbm>>
      %dma_wait3A_20 = tpu.memref_squeeze %dma_wait3A_19 : memref<1x640x128xf32, #tpu.memory_space<hbm>> -> memref<640x128xf32, #tpu.memory_space<hbm>>
      %dma_wait3A_21 = arith.constant 0 : i32
      %dma_wait3A_22 = tpu.memref_slice %arg8[%mul3A_12, %dma_wait3A_21] : memref<10240x128xf32, #tpu.memory_space<vmem_shared>> -> memref<640x128xf32, #tpu.memory_space<vmem_shared>>
      tpu.wait_dma2 semaphore(%run_scoped3A : memref<!tpu.dma_semaphore, #tpu.memory_space<semaphore_mem>>) src(%dma_wait3A_22 : memref<640x128xf32, #tpu.memory_space<vmem_shared>>) dst(%dma_wait3A_20 : memref<640x128xf32, #tpu.memory_space<hbm>>)
      tpu.yield
    }) : () -> ()
    return
  }
}

#map = affine_map<(d0, d1) -> (0)>
#map1 = affine_map<(d0, d1) -> (0, 0)>
#map2 = affine_map<(d0, d1) -> (0, 0, 0)>
module attributes {stable_mosaic.version = 14 : i64} {
  func.func @sc_scatter(%arg0: i32, %arg1: i32, %arg2: memref<327680xi32, #tpu.memory_space<hbm>>, %arg3: memref<327680xi32, #tpu.memory_space<hbm>>, %arg4: memref<10000x128xf32, #tpu.memory_space<hbm>>, %arg5: memref<640x128xf32, #tpu.memory_space<hbm>>, %arg6: memref<2x10240x128xf32, #tpu.memory_space<hbm>>, %arg7: memref<128xi32, #tpu.memory_space<vmem>>, %arg8: memref<128xi32, #tpu.memory_space<vmem>>, %arg9: memref<128x128xf32, #tpu.memory_space<vmem>>, %arg10: memref<10240x128xf32, #tpu.memory_space<vmem_shared>>, %arg11: memref<!tpu.dma_semaphore, #tpu.memory_space<semaphore_mem>>) attributes {dimension_semantics = [#tpu.dimension_semantics<core_parallel>, #tpu.dimension_semantics<subcore_parallel>], iteration_bounds = array<i64: 2, 16>, scalar_prefetch = 0 : i64, scratch_operands = 5 : i64, tpu.core_type = #tpu.core_type<sc_vector_subcore>, window_params = [{transform_indices = #map}, {transform_indices = #map}, {transform_indices = #map1}, {transform_indices = #map1}, {transform_indices = #map2}]} {
    %mul3A = arith.constant 16 : i32
    %mul3A_0 = arith.muli %arg0, %mul3A : i32
    %add3A = arith.addi %mul3A_0, %arg1 : i32
    %mul3A_1 = arith.constant 640 : i32
    %mul3A_2 = arith.muli %arg1, %mul3A_1 : i32
    "tpu.region"() ({
      %run_scoped3A = tpu.sem_alloc : memref<!tpu.dma_semaphore, #tpu.memory_space<semaphore_mem>>
      %dma_start3A = arith.constant 0 : i32
      %dma_start3A_15 = tpu.memref_slice %arg10[%mul3A_2, %dma_start3A] : memref<10240x128xf32, #tpu.memory_space<vmem_shared>> -> memref<640x128xf32, #tpu.memory_space<vmem_shared>>
      tpu.enqueue_dma source(%arg5 : memref<640x128xf32, #tpu.memory_space<hbm>>) target(%dma_start3A_15 : memref<640x128xf32, #tpu.memory_space<vmem_shared>>) target_semaphore(%run_scoped3A : memref<!tpu.dma_semaphore, #tpu.memory_space<semaphore_mem>>)
      %dma_wait3A = arith.constant 0 : i32
      %dma_wait3A_16 = tpu.memref_slice %arg10[%mul3A_2, %dma_wait3A] : memref<10240x128xf32, #tpu.memory_space<vmem_shared>> -> memref<640x128xf32, #tpu.memory_space<vmem_shared>>
      tpu.wait_dma2 semaphore(%run_scoped3A : memref<!tpu.dma_semaphore, #tpu.memory_space<semaphore_mem>>) src(%arg5 : memref<640x128xf32, #tpu.memory_space<hbm>>) dst(%dma_wait3A_16 : memref<640x128xf32, #tpu.memory_space<vmem_shared>>)
      tpu.yield
    }) : () -> ()
    %barrier3A = arith.constant 0 : index
    tpu.barrier barrier_id(%barrier3A)
    %mul3A_3 = arith.constant 10240 : i32
    %mul3A_4 = arith.muli %add3A, %mul3A_3 : i32
    %scan3A = arith.constant 0 : i32
    %scan3A_5 = arith.constant 0 : i32
    %scan3A_6 = arith.constant 80 : i32
    %scan3A_7 = arith.addi %scan3A_5, %scan3A_6 : i32
    %scan3A_8 = arith.constant 1 : i32
    scf.for %scan3A_15 = %scan3A_5 to %scan3A_7 step %scan3A_8  : i32 {
      %mul3A_16 = arith.constant 128 : i32
      %mul3A_17 = arith.muli %scan3A_15, %mul3A_16 : i32
      %add3A_18 = arith.addi %mul3A_4, %mul3A_17 : i32
      "tpu.region"() ({
        %run_scoped3A = tpu.sem_alloc : memref<!tpu.dma_semaphore, #tpu.memory_space<semaphore_mem>>
        %dma_start3A_23 = tpu.memref_slice %arg2[%add3A_18] : memref<327680xi32, #tpu.memory_space<hbm>> -> memref<128xi32, #tpu.memory_space<hbm>>
        %dma_start3A_24 = tpu.memref_slice %arg2[%add3A_18] : memref<327680xi32, #tpu.memory_space<hbm>> -> memref<128xi32, #tpu.memory_space<hbm>>
        tpu.enqueue_dma source(%dma_start3A_24 : memref<128xi32, #tpu.memory_space<hbm>>) target(%arg7 : memref<128xi32, #tpu.memory_space<vmem>>) target_semaphore(%run_scoped3A : memref<!tpu.dma_semaphore, #tpu.memory_space<semaphore_mem>>)
        %dma_wait3A_25 = tpu.memref_slice %arg2[%add3A_18] : memref<327680xi32, #tpu.memory_space<hbm>> -> memref<128xi32, #tpu.memory_space<hbm>>
        %dma_wait3A_26 = tpu.memref_slice %arg2[%add3A_18] : memref<327680xi32, #tpu.memory_space<hbm>> -> memref<128xi32, #tpu.memory_space<hbm>>
        tpu.wait_dma2 semaphore(%run_scoped3A : memref<!tpu.dma_semaphore, #tpu.memory_space<semaphore_mem>>) src(%dma_wait3A_26 : memref<128xi32, #tpu.memory_space<hbm>>) dst(%arg7 : memref<128xi32, #tpu.memory_space<vmem>>)
        tpu.yield
      }) : () -> ()
      %dma_start3A = arith.constant 0 : i32
      %dma_start3A_19 = arith.constant 0 : i32
      %dma_start3A_20 = tpu.memref_slice %arg4[%dma_start3A, %dma_start3A_19] : memref<10000x128xf32, #tpu.memory_space<hbm>> -> memref<10000x128xf32, #tpu.memory_space<hbm>>
      tpu.enqueue_indirect_dma source(%dma_start3A_20 : memref<10000x128xf32, #tpu.memory_space<hbm>>) target(%arg9 : memref<128x128xf32, #tpu.memory_space<vmem>>) offsets(%arg7 : memref<128xi32, #tpu.memory_space<vmem>>) semaphore(%arg11 : memref<!tpu.dma_semaphore, #tpu.memory_space<semaphore_mem>>)
      %dma_wait3A = arith.constant 0 : i32
      %dma_wait3A_21 = arith.constant 0 : i32
      %dma_wait3A_22 = tpu.memref_slice %arg4[%dma_wait3A, %dma_wait3A_21] : memref<10000x128xf32, #tpu.memory_space<hbm>> -> memref<10000x128xf32, #tpu.memory_space<hbm>>
      tpu.wait_indirect_dma semaphore(%arg11 : memref<!tpu.dma_semaphore, #tpu.memory_space<semaphore_mem>>) src(%dma_wait3A_22 : memref<10000x128xf32, #tpu.memory_space<hbm>>) dst(%arg9 : memref<128x128xf32, #tpu.memory_space<vmem>>)
      "tpu.region"() ({
        %run_scoped3A = tpu.sem_alloc : memref<!tpu.dma_semaphore, #tpu.memory_space<semaphore_mem>>
        %dma_start3A_23 = tpu.memref_slice %arg3[%add3A_18] : memref<327680xi32, #tpu.memory_space<hbm>> -> memref<128xi32, #tpu.memory_space<hbm>>
        %dma_start3A_24 = tpu.memref_slice %arg3[%add3A_18] : memref<327680xi32, #tpu.memory_space<hbm>> -> memref<128xi32, #tpu.memory_space<hbm>>
        tpu.enqueue_dma source(%dma_start3A_24 : memref<128xi32, #tpu.memory_space<hbm>>) target(%arg8 : memref<128xi32, #tpu.memory_space<vmem>>) target_semaphore(%run_scoped3A : memref<!tpu.dma_semaphore, #tpu.memory_space<semaphore_mem>>)
        %dma_wait3A_25 = tpu.memref_slice %arg3[%add3A_18] : memref<327680xi32, #tpu.memory_space<hbm>> -> memref<128xi32, #tpu.memory_space<hbm>>
        %dma_wait3A_26 = tpu.memref_slice %arg3[%add3A_18] : memref<327680xi32, #tpu.memory_space<hbm>> -> memref<128xi32, #tpu.memory_space<hbm>>
        tpu.wait_dma2 semaphore(%run_scoped3A : memref<!tpu.dma_semaphore, #tpu.memory_space<semaphore_mem>>) src(%dma_wait3A_26 : memref<128xi32, #tpu.memory_space<hbm>>) dst(%arg8 : memref<128xi32, #tpu.memory_space<vmem>>)
        tpu.yield
      }) : () -> ()
      "tpu.region"() ({
        %run_scoped3A = tpu.sem_alloc : memref<!tpu.dma_semaphore, #tpu.memory_space<semaphore_mem>>
        %dma_start3A_23 = arith.constant 0 : i32
        %dma_start3A_24 = arith.constant 0 : i32
        %dma_start3A_25 = tpu.memref_slice %arg10[%dma_start3A_23, %dma_start3A_24] : memref<10240x128xf32, #tpu.memory_space<vmem_shared>> -> memref<10240x128xf32, #tpu.memory_space<vmem_shared>>
        tpu.enqueue_indirect_dma source(%arg9 : memref<128x128xf32, #tpu.memory_space<vmem>>) target(%dma_start3A_25 : memref<10240x128xf32, #tpu.memory_space<vmem_shared>>) offsets(%arg8 : memref<128xi32, #tpu.memory_space<vmem>>) semaphore(%run_scoped3A : memref<!tpu.dma_semaphore, #tpu.memory_space<semaphore_mem>>) {add = true}
        %dma_wait3A_26 = arith.constant 0 : i32
        %dma_wait3A_27 = arith.constant 0 : i32
        %dma_wait3A_28 = tpu.memref_slice %arg10[%dma_wait3A_26, %dma_wait3A_27] : memref<10240x128xf32, #tpu.memory_space<vmem_shared>> -> memref<10240x128xf32, #tpu.memory_space<vmem_shared>>
        tpu.wait_indirect_dma semaphore(%run_scoped3A : memref<!tpu.dma_semaphore, #tpu.memory_space<semaphore_mem>>) src(%arg9 : memref<128x128xf32, #tpu.memory_space<vmem>>) dst(%dma_wait3A_28 : memref<10240x128xf32, #tpu.memory_space<vmem_shared>>)
        tpu.yield
      }) : () -> ()
    }
    %scan3A_9 = arith.constant 80 : i32
    %barrier3A_10 = arith.constant 0 : index
    tpu.barrier barrier_id(%barrier3A_10)
    %mul3A_11 = arith.constant 640 : i32
    %mul3A_12 = arith.muli %arg1, %mul3A_11 : i32
    %mul3A_13 = arith.constant 640 : i32
    %mul3A_14 = arith.muli %arg1, %mul3A_13 : i32
    "tpu.region"() ({
      %run_scoped3A = tpu.sem_alloc : memref<!tpu.dma_semaphore, #tpu.memory_space<semaphore_mem>>
      %dma_start3A = arith.constant 0 : i32
      %dma_start3A_15 = tpu.memref_slice %arg6[%arg0, %mul3A_14, %dma_start3A] : memref<2x10240x128xf32, #tpu.memory_space<hbm>> -> memref<1x640x128xf32, #tpu.memory_space<hbm>>
      %dma_start3A_16 = tpu.memref_squeeze %dma_start3A_15 : memref<1x640x128xf32, #tpu.memory_space<hbm>> -> memref<640x128xf32, #tpu.memory_space<hbm>>
      %dma_start3A_17 = arith.constant 0 : i32
      %dma_start3A_18 = tpu.memref_slice %arg10[%mul3A_12, %dma_start3A_17] : memref<10240x128xf32, #tpu.memory_space<vmem_shared>> -> memref<640x128xf32, #tpu.memory_space<vmem_shared>>
      tpu.enqueue_dma source(%dma_start3A_18 : memref<640x128xf32, #tpu.memory_space<vmem_shared>>) target(%dma_start3A_16 : memref<640x128xf32, #tpu.memory_space<hbm>>) target_semaphore(%run_scoped3A : memref<!tpu.dma_semaphore, #tpu.memory_space<semaphore_mem>>)
      %dma_wait3A = arith.constant 0 : i32
      %dma_wait3A_19 = tpu.memref_slice %arg6[%arg0, %mul3A_14, %dma_wait3A] : memref<2x10240x128xf32, #tpu.memory_space<hbm>> -> memref<1x640x128xf32, #tpu.memory_space<hbm>>
      %dma_wait3A_20 = tpu.memref_squeeze %dma_wait3A_19 : memref<1x640x128xf32, #tpu.memory_space<hbm>> -> memref<640x128xf32, #tpu.memory_space<hbm>>
      %dma_wait3A_21 = arith.constant 0 : i32
      %dma_wait3A_22 = tpu.memref_slice %arg10[%mul3A_12, %dma_wait3A_21] : memref<10240x128xf32, #tpu.memory_space<vmem_shared>> -> memref<640x128xf32, #tpu.memory_space<vmem_shared>>
      tpu.wait_dma2 semaphore(%run_scoped3A : memref<!tpu.dma_semaphore, #tpu.memory_space<semaphore_mem>>) src(%dma_wait3A_22 : memref<640x128xf32, #tpu.memory_space<vmem_shared>>) dst(%dma_wait3A_20 : memref<640x128xf32, #tpu.memory_space<hbm>>)
      tpu.yield
    }) : () -> ()
    return
  }
}

#map = affine_map<(d0, d1) -> (0)>
#map1 = affine_map<(d0, d1) -> (0, 0)>
#map2 = affine_map<(d0, d1) -> (0, 0, 0)>
module attributes {stable_mosaic.version = 14 : i64} {
  func.func @sc_scatter(%arg0: i32, %arg1: i32, %arg2: memref<327680xi32, #tpu.memory_space<hbm>>, %arg3: memref<327680xi32, #tpu.memory_space<hbm>>, %arg4: memref<10000x128xf32, #tpu.memory_space<hbm>>, %arg5: memref<640x128xf32, #tpu.memory_space<hbm>>, %arg6: memref<2x10240x128xf32, #tpu.memory_space<hbm>>, %arg7: memref<128xi32, #tpu.memory_space<vmem>>, %arg8: memref<128xi32, #tpu.memory_space<vmem>>, %arg9: memref<128x128xf32, #tpu.memory_space<vmem>>, %arg10: memref<10240x128xf32, #tpu.memory_space<vmem_shared>>, %arg11: memref<!tpu.dma_semaphore, #tpu.memory_space<semaphore_mem>>) attributes {dimension_semantics = [#tpu.dimension_semantics<core_parallel>, #tpu.dimension_semantics<subcore_parallel>], iteration_bounds = array<i64: 2, 16>, scalar_prefetch = 0 : i64, scratch_operands = 5 : i64, tpu.core_type = #tpu.core_type<sc_vector_subcore>, window_params = [{transform_indices = #map}, {transform_indices = #map}, {transform_indices = #map1}, {transform_indices = #map1}, {transform_indices = #map2}]} {
    %mul3A = arith.constant 16 : i32
    %mul3A_0 = arith.muli %arg0, %mul3A : i32
    %add3A = arith.addi %mul3A_0, %arg1 : i32
    %mul3A_1 = arith.constant 640 : i32
    %mul3A_2 = arith.muli %arg1, %mul3A_1 : i32
    "tpu.region"() ({
      %run_scoped3A = tpu.sem_alloc : memref<!tpu.dma_semaphore, #tpu.memory_space<semaphore_mem>>
      %dma_start3A = arith.constant 0 : i32
      %dma_start3A_15 = tpu.memref_slice %arg10[%mul3A_2, %dma_start3A] : memref<10240x128xf32, #tpu.memory_space<vmem_shared>> -> memref<640x128xf32, #tpu.memory_space<vmem_shared>>
      tpu.enqueue_dma source(%arg5 : memref<640x128xf32, #tpu.memory_space<hbm>>) target(%dma_start3A_15 : memref<640x128xf32, #tpu.memory_space<vmem_shared>>) target_semaphore(%run_scoped3A : memref<!tpu.dma_semaphore, #tpu.memory_space<semaphore_mem>>)
      %dma_wait3A = arith.constant 0 : i32
      %dma_wait3A_16 = tpu.memref_slice %arg10[%mul3A_2, %dma_wait3A] : memref<10240x128xf32, #tpu.memory_space<vmem_shared>> -> memref<640x128xf32, #tpu.memory_space<vmem_shared>>
      tpu.wait_dma2 semaphore(%run_scoped3A : memref<!tpu.dma_semaphore, #tpu.memory_space<semaphore_mem>>) src(%arg5 : memref<640x128xf32, #tpu.memory_space<hbm>>) dst(%dma_wait3A_16 : memref<640x128xf32, #tpu.memory_space<vmem_shared>>)
      tpu.yield
    }) : () -> ()
    %barrier3A = arith.constant 0 : index
    tpu.barrier barrier_id(%barrier3A)
    %mul3A_3 = arith.constant 10240 : i32
    %mul3A_4 = arith.muli %add3A, %mul3A_3 : i32
    %scan3A = arith.constant 0 : i32
    %scan3A_5 = arith.constant 0 : i32
    %scan3A_6 = arith.constant 80 : i32
    %scan3A_7 = arith.addi %scan3A_5, %scan3A_6 : i32
    %scan3A_8 = arith.constant 1 : i32
    scf.for %scan3A_15 = %scan3A_5 to %scan3A_7 step %scan3A_8  : i32 {
      %mul3A_16 = arith.constant 128 : i32
      %mul3A_17 = arith.muli %scan3A_15, %mul3A_16 : i32
      %add3A_18 = arith.addi %mul3A_4, %mul3A_17 : i32
      "tpu.region"() ({
        %run_scoped3A = tpu.sem_alloc : memref<!tpu.dma_semaphore, #tpu.memory_space<semaphore_mem>>
        %dma_start3A_23 = tpu.memref_slice %arg2[%add3A_18] : memref<327680xi32, #tpu.memory_space<hbm>> -> memref<128xi32, #tpu.memory_space<hbm>>
        %dma_start3A_24 = tpu.memref_slice %arg2[%add3A_18] : memref<327680xi32, #tpu.memory_space<hbm>> -> memref<128xi32, #tpu.memory_space<hbm>>
        tpu.enqueue_dma source(%dma_start3A_24 : memref<128xi32, #tpu.memory_space<hbm>>) target(%arg7 : memref<128xi32, #tpu.memory_space<vmem>>) target_semaphore(%run_scoped3A : memref<!tpu.dma_semaphore, #tpu.memory_space<semaphore_mem>>)
        %dma_wait3A_25 = tpu.memref_slice %arg2[%add3A_18] : memref<327680xi32, #tpu.memory_space<hbm>> -> memref<128xi32, #tpu.memory_space<hbm>>
        %dma_wait3A_26 = tpu.memref_slice %arg2[%add3A_18] : memref<327680xi32, #tpu.memory_space<hbm>> -> memref<128xi32, #tpu.memory_space<hbm>>
        tpu.wait_dma2 semaphore(%run_scoped3A : memref<!tpu.dma_semaphore, #tpu.memory_space<semaphore_mem>>) src(%dma_wait3A_26 : memref<128xi32, #tpu.memory_space<hbm>>) dst(%arg7 : memref<128xi32, #tpu.memory_space<vmem>>)
        tpu.yield
      }) : () -> ()
      %dma_start3A = arith.constant 0 : i32
      %dma_start3A_19 = arith.constant 0 : i32
      %dma_start3A_20 = tpu.memref_slice %arg4[%dma_start3A, %dma_start3A_19] : memref<10000x128xf32, #tpu.memory_space<hbm>> -> memref<10000x128xf32, #tpu.memory_space<hbm>>
      tpu.enqueue_indirect_dma source(%dma_start3A_20 : memref<10000x128xf32, #tpu.memory_space<hbm>>) target(%arg9 : memref<128x128xf32, #tpu.memory_space<vmem>>) offsets(%arg7 : memref<128xi32, #tpu.memory_space<vmem>>) semaphore(%arg11 : memref<!tpu.dma_semaphore, #tpu.memory_space<semaphore_mem>>)
      %dma_wait3A = arith.constant 0 : i32
      %dma_wait3A_21 = arith.constant 0 : i32
      %dma_wait3A_22 = tpu.memref_slice %arg4[%dma_wait3A, %dma_wait3A_21] : memref<10000x128xf32, #tpu.memory_space<hbm>> -> memref<10000x128xf32, #tpu.memory_space<hbm>>
      tpu.wait_indirect_dma semaphore(%arg11 : memref<!tpu.dma_semaphore, #tpu.memory_space<semaphore_mem>>) src(%dma_wait3A_22 : memref<10000x128xf32, #tpu.memory_space<hbm>>) dst(%arg9 : memref<128x128xf32, #tpu.memory_space<vmem>>)
      "tpu.region"() ({
        %run_scoped3A = tpu.sem_alloc : memref<!tpu.dma_semaphore, #tpu.memory_space<semaphore_mem>>
        %dma_start3A_23 = tpu.memref_slice %arg3[%add3A_18] : memref<327680xi32, #tpu.memory_space<hbm>> -> memref<128xi32, #tpu.memory_space<hbm>>
        %dma_start3A_24 = tpu.memref_slice %arg3[%add3A_18] : memref<327680xi32, #tpu.memory_space<hbm>> -> memref<128xi32, #tpu.memory_space<hbm>>
        tpu.enqueue_dma source(%dma_start3A_24 : memref<128xi32, #tpu.memory_space<hbm>>) target(%arg8 : memref<128xi32, #tpu.memory_space<vmem>>) target_semaphore(%run_scoped3A : memref<!tpu.dma_semaphore, #tpu.memory_space<semaphore_mem>>)
        %dma_wait3A_25 = tpu.memref_slice %arg3[%add3A_18] : memref<327680xi32, #tpu.memory_space<hbm>> -> memref<128xi32, #tpu.memory_space<hbm>>
        %dma_wait3A_26 = tpu.memref_slice %arg3[%add3A_18] : memref<327680xi32, #tpu.memory_space<hbm>> -> memref<128xi32, #tpu.memory_space<hbm>>
        tpu.wait_dma2 semaphore(%run_scoped3A : memref<!tpu.dma_semaphore, #tpu.memory_space<semaphore_mem>>) src(%dma_wait3A_26 : memref<128xi32, #tpu.memory_space<hbm>>) dst(%arg8 : memref<128xi32, #tpu.memory_space<vmem>>)
        tpu.yield
      }) : () -> ()
      "tpu.region"() ({
        %run_scoped3A = tpu.sem_alloc : memref<!tpu.dma_semaphore, #tpu.memory_space<semaphore_mem>>
        %dma_start3A_23 = arith.constant 0 : i32
        %dma_start3A_24 = arith.constant 0 : i32
        %dma_start3A_25 = tpu.memref_slice %arg10[%dma_start3A_23, %dma_start3A_24] : memref<10240x128xf32, #tpu.memory_space<vmem_shared>> -> memref<10240x128xf32, #tpu.memory_space<vmem_shared>>
        tpu.enqueue_indirect_dma source(%arg9 : memref<128x128xf32, #tpu.memory_space<vmem>>) target(%dma_start3A_25 : memref<10240x128xf32, #tpu.memory_space<vmem_shared>>) offsets(%arg8 : memref<128xi32, #tpu.memory_space<vmem>>) semaphore(%run_scoped3A : memref<!tpu.dma_semaphore, #tpu.memory_space<semaphore_mem>>) {add = true}
        %dma_wait3A_26 = arith.constant 0 : i32
        %dma_wait3A_27 = arith.constant 0 : i32
        %dma_wait3A_28 = tpu.memref_slice %arg10[%dma_wait3A_26, %dma_wait3A_27] : memref<10240x128xf32, #tpu.memory_space<vmem_shared>> -> memref<10240x128xf32, #tpu.memory_space<vmem_shared>>
        tpu.wait_indirect_dma semaphore(%run_scoped3A : memref<!tpu.dma_semaphore, #tpu.memory_space<semaphore_mem>>) src(%arg9 : memref<128x128xf32, #tpu.memory_space<vmem>>) dst(%dma_wait3A_28 : memref<10240x128xf32, #tpu.memory_space<vmem_shared>>)
        tpu.yield
      }) : () -> ()
    }
    %scan3A_9 = arith.constant 80 : i32
    %barrier3A_10 = arith.constant 0 : index
    tpu.barrier barrier_id(%barrier3A_10)
    %mul3A_11 = arith.constant 640 : i32
    %mul3A_12 = arith.muli %arg1, %mul3A_11 : i32
    %mul3A_13 = arith.constant 640 : i32
    %mul3A_14 = arith.muli %arg1, %mul3A_13 : i32
    "tpu.region"() ({
      %run_scoped3A = tpu.sem_alloc : memref<!tpu.dma_semaphore, #tpu.memory_space<semaphore_mem>>
      %dma_start3A = arith.constant 0 : i32
      %dma_start3A_15 = tpu.memref_slice %arg6[%arg0, %mul3A_14, %dma_start3A] : memref<2x10240x128xf32, #tpu.memory_space<hbm>> -> memref<1x640x128xf32, #tpu.memory_space<hbm>>
      %dma_start3A_16 = tpu.memref_squeeze %dma_start3A_15 : memref<1x640x128xf32, #tpu.memory_space<hbm>> -> memref<640x128xf32, #tpu.memory_space<hbm>>
      %dma_start3A_17 = arith.constant 0 : i32
      %dma_start3A_18 = tpu.memref_slice %arg10[%mul3A_12, %dma_start3A_17] : memref<10240x128xf32, #tpu.memory_space<vmem_shared>> -> memref<640x128xf32, #tpu.memory_space<vmem_shared>>
      tpu.enqueue_dma source(%dma_start3A_18 : memref<640x128xf32, #tpu.memory_space<vmem_shared>>) target(%dma_start3A_16 : memref<640x128xf32, #tpu.memory_space<hbm>>) target_semaphore(%run_scoped3A : memref<!tpu.dma_semaphore, #tpu.memory_space<semaphore_mem>>)
      %dma_wait3A = arith.constant 0 : i32
      %dma_wait3A_19 = tpu.memref_slice %arg6[%arg0, %mul3A_14, %dma_wait3A] : memref<2x10240x128xf32, #tpu.memory_space<hbm>> -> memref<1x640x128xf32, #tpu.memory_space<hbm>>
      %dma_wait3A_20 = tpu.memref_squeeze %dma_wait3A_19 : memref<1x640x128xf32, #tpu.memory_space<hbm>> -> memref<640x128xf32, #tpu.memory_space<hbm>>
      %dma_wait3A_21 = arith.constant 0 : i32
      %dma_wait3A_22 = tpu.memref_slice %arg10[%mul3A_12, %dma_wait3A_21] : memref<10240x128xf32, #tpu.memory_space<vmem_shared>> -> memref<640x128xf32, #tpu.memory_space<vmem_shared>>
      tpu.wait_dma2 semaphore(%run_scoped3A : memref<!tpu.dma_semaphore, #tpu.memory_space<semaphore_mem>>) src(%dma_wait3A_22 : memref<640x128xf32, #tpu.memory_space<vmem_shared>>) dst(%dma_wait3A_20 : memref<640x128xf32, #tpu.memory_space<hbm>>)
      tpu.yield
    }) : () -> ()
    return
  }
}

module attributes {stable_mosaic.version = 14 : i64} {
  func.func @_fc1_body(%arg0: i32, %arg1: memref<1000x128xf32, #tpu.memory_space<vmem>>, %arg2: memref<128x128xf32, #tpu.memory_space<vmem>>, %arg3: memref<1x128xf32, #tpu.memory_space<vmem>>, %arg4: memref<2x1000x128xf32, #tpu.memory_space<vmem>>, %arg5: memref<1000x128xf32, #tpu.memory_space<vmem>>, %arg6: memref<1000x128xf32, #tpu.memory_space<vmem>>, %arg7: memref<1000x16xf32, #tpu.memory_space<vmem>>) attributes {dimension_semantics = [#tpu.dimension_semantics<arbitrary>], iteration_bounds = array<i64: 10>, scalar_prefetch = 0 : i64, scratch_operands = 0 : i64, tpu.core_type = #tpu.core_type<tc>, window_params = [{transform_indices = @transform_0, window_bounds = array<i64: 1000, 128>}, {pipeline_mode = #tpu.pipeline_mode<synchronous>, transform_indices = @transform_1, window_bounds = array<i64: 128, 128>}, {pipeline_mode = #tpu.pipeline_mode<synchronous>, transform_indices = @transform_2, window_bounds = array<i64: 1, 128>}, {transform_indices = @transform_3, window_bounds = array<i64: 2, 1000, 128>}, {transform_indices = @transform_4, window_bounds = array<i64: 1000, 128>}, {transform_indices = @transform_5, window_bounds = array<i64: 1000, 128>}, {transform_indices = @transform_6, window_bounds = array<i64: 1000, 16>}]} {
    %get3A = arith.constant 0 : index
    %get3A_0 = arith.constant 0 : index
    %get3A_1 = arith.constant 0 : index
    %get3A_2 = vector.load %arg4[%get3A, %get3A_0, %get3A_1] : memref<2x1000x128xf32, #tpu.memory_space<vmem>>, vector<1x1000x1xf32>
    %get3A_3 = vector.shape_cast %get3A_2 : vector<1x1000x1xf32> to vector<1000x1xf32>
    %get3A_4 = arith.constant 1 : index
    %get3A_5 = arith.constant 0 : index
    %get3A_6 = arith.constant 0 : index
    %get3A_7 = vector.load %arg4[%get3A_4, %get3A_5, %get3A_6] : memref<2x1000x128xf32, #tpu.memory_space<vmem>>, vector<1x1000x1xf32>
    %get3A_8 = vector.shape_cast %get3A_7 : vector<1x1000x1xf32> to vector<1000x1xf32>
    %add3A = arith.addf %get3A_3, %get3A_8 : vector<1000x1xf32>
    %add3A_9 = arith.constant 1.000000e+00 : f32
    %add3A_10 = vector.broadcast %add3A_9 : f32 to vector<1000x1xf32>
    %add3A_11 = arith.addf %add3A, %add3A_10 : vector<1000x1xf32>
    %rsqrt3A = math.rsqrt %add3A_11 : vector<1000x1xf32>
    %get3A_12 = arith.constant 0 : index
    %get3A_13 = arith.constant 0 : index
    %get3A_14 = vector.load %arg1[%get3A_12, %get3A_13] : memref<1000x128xf32, #tpu.memory_space<vmem>>, vector<1000x128xf32>
    %get3A_15 = arith.constant 0 : index
    %get3A_16 = arith.constant 0 : index
    %get3A_17 = vector.load %arg2[%get3A_15, %get3A_16] : memref<128x128xf32, #tpu.memory_space<vmem>>, vector<128x128xf32>
    %dot_general3A = arith.constant dense<0.000000e+00> : vector<1000x128xf32>
    %dot_general3A_18 = tpu.matmul %get3A_14, %get3A_17, %dot_general3A {dimension_numbers = #tpu.dot_dimension_numbers<[1], [0], [0], [1], [0, 0, 1, 1], [], []>, precision = #tpu.contract_precision<fp32>, transpose_lhs_hint = false} : vector<1000x128xf32>, vector<128x128xf32>, vector<1000x128xf32> -> vector<1000x128xf32>
    %get3A_19 = arith.constant 0 : index
    %get3A_20 = arith.constant 0 : index
    %get3A_21 = vector.load %arg3[%get3A_19, %get3A_20] : memref<1x128xf32, #tpu.memory_space<vmem>>, vector<1x128xf32>
    %add3A_22 = vector.broadcast %get3A_21 : vector<1x128xf32> to vector<1000x128xf32>
    %add3A_23 = arith.addf %dot_general3A_18, %add3A_22 : vector<1000x128xf32>
    %max3A = arith.constant 0.000000e+00 : f32
    %max3A_24 = vector.broadcast %max3A : f32 to vector<1000x128xf32>
    %max3A_25 = arith.maximumf %add3A_23, %max3A_24 : vector<1000x128xf32>
    %swap3A = arith.constant 0 : index
    %swap3A_26 = arith.constant 0 : index
    %swap3A_27 = vector.load %arg5[%swap3A, %swap3A_26] : memref<1000x128xf32, #tpu.memory_space<vmem>>, vector<1000x128xf32>
    tpu.vector_store %arg5[%swap3A, %swap3A_26], %max3A_25 {strides = array<i32>} : memref<1000x128xf32, #tpu.memory_space<vmem>>, vector<1000x128xf32>,
    %mul3A = vector.broadcast %rsqrt3A : vector<1000x1xf32> to vector<1000x128xf32>
    %mul3A_28 = arith.mulf %max3A_25, %mul3A : vector<1000x128xf32>
    %swap3A_29 = arith.constant 0 : index
    %swap3A_30 = arith.constant 0 : index
    %swap3A_31 = vector.load %arg6[%swap3A_29, %swap3A_30] : memref<1000x128xf32, #tpu.memory_space<vmem>>, vector<1000x128xf32>
    tpu.vector_store %arg6[%swap3A_29, %swap3A_30], %mul3A_28 {strides = array<i32>} : memref<1000x128xf32, #tpu.memory_space<vmem>>, vector<1000x128xf32>,
    %broadcast_in_dim3A = vector.shape_cast %rsqrt3A : vector<1000x1xf32> to vector<1000x1xf32>
    %broadcast_in_dim3A_32 = vector.broadcast %broadcast_in_dim3A : vector<1000x1xf32> to vector<1000x16xf32>
    %swap3A_33 = arith.constant 0 : index
    %swap3A_34 = arith.constant 0 : index
    %swap3A_35 = vector.load %arg7[%swap3A_33, %swap3A_34] : memref<1000x16xf32, #tpu.memory_space<vmem>>, vector<1000x16xf32>
    tpu.vector_store %arg7[%swap3A_33, %swap3A_34], %broadcast_in_dim3A_32 {strides = array<i32>} : memref<1000x16xf32, #tpu.memory_space<vmem>>, vector<1000x16xf32>,
    return
  }
  func.func @transform_0(%arg0: i32) -> (i32, i32) {
    %c0_i32 = arith.constant 0 : i32
    %c0_i32_0 = arith.constant 0 : i32
    return %arg0, %c0_i32 : i32, i32
  }
  func.func @transform_1(%arg0: i32) -> (i32, i32) {
    %c0_i32 = arith.constant 0 : i32
    %c0_i32_0 = arith.constant 0 : i32
    %c0_i32_1 = arith.constant 0 : i32
    return %c0_i32, %c0_i32_0 : i32, i32
  }
  func.func @transform_2(%arg0: i32) -> (i32, i32) {
    %c0_i32 = arith.constant 0 : i32
    %c0_i32_0 = arith.constant 0 : i32
    %c0_i32_1 = arith.constant 0 : i32
    return %c0_i32, %c0_i32_0 : i32, i32
  }
  func.func @transform_3(%arg0: i32) -> (i32, i32, i32) {
    %c0_i32 = arith.constant 0 : i32
    %c0_i32_0 = arith.constant 0 : i32
    %c0_i32_1 = arith.constant 0 : i32
    return %c0_i32, %arg0, %c0_i32_0 : i32, i32, i32
  }
  func.func @transform_4(%arg0: i32) -> (i32, i32) {
    %c0_i32 = arith.constant 0 : i32
    %c0_i32_0 = arith.constant 0 : i32
    return %arg0, %c0_i32 : i32, i32
  }
  func.func @transform_5(%arg0: i32) -> (i32, i32) {
    %c0_i32 = arith.constant 0 : i32
    %c0_i32_0 = arith.constant 0 : i32
    return %arg0, %c0_i32 : i32, i32
  }
  func.func @transform_6(%arg0: i32) -> (i32, i32) {
    %c0_i32 = arith.constant 0 : i32
    %c0_i32_0 = arith.constant 0 : i32
    return %arg0, %c0_i32 : i32, i32
  }
}

module attributes {stable_mosaic.version = 14 : i64} {
  func.func @_layer_body(%arg0: i32, %arg1: memref<2x1000x128xf32, #tpu.memory_space<vmem>>, %arg2: memref<1000x128xf32, #tpu.memory_space<vmem>>, %arg3: memref<1000x128xf32, #tpu.memory_space<vmem>>, %arg4: memref<1000x16xf32, #tpu.memory_space<vmem>>, %arg5: memref<128x128xf32, #tpu.memory_space<vmem>>, %arg6: memref<1000x128xf32, #tpu.memory_space<vmem>>) attributes {dimension_semantics = [#tpu.dimension_semantics<arbitrary>], iteration_bounds = array<i64: 10>, scalar_prefetch = 0 : i64, scratch_operands = 0 : i64, tpu.core_type = #tpu.core_type<tc>, window_params = [{transform_indices = @transform_0, window_bounds = array<i64: 2, 1000, 128>}, {transform_indices = @transform_1, window_bounds = array<i64: 1000, 128>}, {transform_indices = @transform_2, window_bounds = array<i64: 1000, 128>}, {transform_indices = @transform_3, window_bounds = array<i64: 1000, 16>}, {pipeline_mode = #tpu.pipeline_mode<synchronous>, transform_indices = @transform_4, window_bounds = array<i64: 128, 128>}, {transform_indices = @transform_5, window_bounds = array<i64: 1000, 128>}]} {
    %get3A = arith.constant 0 : index
    %get3A_0 = arith.constant 0 : index
    %get3A_1 = arith.constant 0 : index
    %get3A_2 = vector.load %arg1[%get3A, %get3A_0, %get3A_1] : memref<2x1000x128xf32, #tpu.memory_space<vmem>>, vector<1x1000x128xf32>
    %get3A_3 = vector.shape_cast %get3A_2 : vector<1x1000x128xf32> to vector<1000x128xf32>
    %get3A_4 = arith.constant 1 : index
    %get3A_5 = arith.constant 0 : index
    %get3A_6 = arith.constant 0 : index
    %get3A_7 = vector.load %arg1[%get3A_4, %get3A_5, %get3A_6] : memref<2x1000x128xf32, #tpu.memory_space<vmem>>, vector<1x1000x128xf32>
    %get3A_8 = vector.shape_cast %get3A_7 : vector<1x1000x128xf32> to vector<1000x128xf32>
    %add3A = arith.addf %get3A_3, %get3A_8 : vector<1000x128xf32>
    %get3A_9 = arith.constant 0 : index
    %get3A_10 = arith.constant 0 : index
    %get3A_11 = vector.load %arg2[%get3A_9, %get3A_10] : memref<1000x128xf32, #tpu.memory_space<vmem>>, vector<1000x128xf32>
    %add3A_12 = arith.addf %add3A, %get3A_11 : vector<1000x128xf32>
    %get3A_13 = arith.constant 0 : index
    %get3A_14 = arith.constant 0 : index
    %get3A_15 = vector.load %arg4[%get3A_13, %get3A_14] : memref<1000x16xf32, #tpu.memory_space<vmem>>, vector<1000x1xf32>
    %mul3A = vector.broadcast %get3A_15 : vector<1000x1xf32> to vector<1000x128xf32>
    %mul3A_16 = arith.mulf %add3A_12, %mul3A : vector<1000x128xf32>
    %mul3A_17 = arith.constant 0.899999976 : f32
    %mul3A_18 = vector.broadcast %mul3A_17 : f32 to vector<1000x128xf32>
    %mul3A_19 = arith.mulf %mul3A_18, %mul3A_16 : vector<1000x128xf32>
    %get3A_20 = arith.constant 0 : index
    %get3A_21 = arith.constant 0 : index
    %get3A_22 = vector.load %arg3[%get3A_20, %get3A_21] : memref<1000x128xf32, #tpu.memory_space<vmem>>, vector<1000x128xf32>
    %mul3A_23 = arith.constant 1.000000e-01 : f32
    %mul3A_24 = vector.broadcast %mul3A_23 : f32 to vector<1000x128xf32>
    %mul3A_25 = arith.mulf %mul3A_24, %get3A_22 : vector<1000x128xf32>
    %add3A_26 = arith.addf %mul3A_19, %mul3A_25 : vector<1000x128xf32>
    %get3A_27 = arith.constant 0 : index
    %get3A_28 = arith.constant 0 : index
    %get3A_29 = vector.load %arg5[%get3A_27, %get3A_28] : memref<128x128xf32, #tpu.memory_space<vmem>>, vector<128x128xf32>
    %dot_general3A = arith.constant dense<0.000000e+00> : vector<1000x128xf32>
    %dot_general3A_30 = tpu.matmul %add3A_26, %get3A_29, %dot_general3A {dimension_numbers = #tpu.dot_dimension_numbers<[1], [0], [0], [1], [0, 0, 1, 1], [], []>, precision = #tpu.contract_precision<fp32>, transpose_lhs_hint = false} : vector<1000x128xf32>, vector<128x128xf32>, vector<1000x128xf32> -> vector<1000x128xf32>
    %max3A = arith.constant 0.000000e+00 : f32
    %max3A_31 = vector.broadcast %max3A : f32 to vector<1000x128xf32>
    %max3A_32 = arith.maximumf %dot_general3A_30, %max3A_31 : vector<1000x128xf32>
    %get3A_33 = arith.constant 0 : index
    %get3A_34 = arith.constant 0 : index
    %get3A_35 = vector.load %arg4[%get3A_33, %get3A_34] : memref<1000x16xf32, #tpu.memory_space<vmem>>, vector<1000x1xf32>
    %mul3A_36 = vector.broadcast %get3A_35 : vector<1000x1xf32> to vector<1000x128xf32>
    %mul3A_37 = arith.mulf %max3A_32, %mul3A_36 : vector<1000x128xf32>
    %swap3A = arith.constant 0 : index
    %swap3A_38 = arith.constant 0 : index
    %swap3A_39 = vector.load %arg6[%swap3A, %swap3A_38] : memref<1000x128xf32, #tpu.memory_space<vmem>>, vector<1000x128xf32>
    tpu.vector_store %arg6[%swap3A, %swap3A_38], %mul3A_37 {strides = array<i32>} : memref<1000x128xf32, #tpu.memory_space<vmem>>, vector<1000x128xf32>,
    return
  }
  func.func @transform_0(%arg0: i32) -> (i32, i32, i32) {
    %c0_i32 = arith.constant 0 : i32
    %c0_i32_0 = arith.constant 0 : i32
    %c0_i32_1 = arith.constant 0 : i32
    return %c0_i32, %arg0, %c0_i32_0 : i32, i32, i32
  }
  func.func @transform_1(%arg0: i32) -> (i32, i32) {
    %c0_i32 = arith.constant 0 : i32
    %c0_i32_0 = arith.constant 0 : i32
    return %arg0, %c0_i32 : i32, i32
  }
  func.func @transform_2(%arg0: i32) -> (i32, i32) {
    %c0_i32 = arith.constant 0 : i32
    %c0_i32_0 = arith.constant 0 : i32
    return %arg0, %c0_i32 : i32, i32
  }
  func.func @transform_3(%arg0: i32) -> (i32, i32) {
    %c0_i32 = arith.constant 0 : i32
    %c0_i32_0 = arith.constant 0 : i32
    return %arg0, %c0_i32 : i32, i32
  }
  func.func @transform_4(%arg0: i32) -> (i32, i32) {
    %c0_i32 = arith.constant 0 : i32
    %c0_i32_0 = arith.constant 0 : i32
    %c0_i32_1 = arith.constant 0 : i32
    return %c0_i32, %c0_i32_0 : i32, i32
  }
  func.func @transform_5(%arg0: i32) -> (i32, i32) {
    %c0_i32 = arith.constant 0 : i32
    %c0_i32_0 = arith.constant 0 : i32
    return %arg0, %c0_i32 : i32, i32
  }
}

module attributes {stable_mosaic.version = 14 : i64} {
  func.func @_final_body(%arg0: i32, %arg1: memref<2x1000x128xf32, #tpu.memory_space<vmem>>, %arg2: memref<1000x128xf32, #tpu.memory_space<vmem>>, %arg3: memref<1000x128xf32, #tpu.memory_space<vmem>>, %arg4: memref<1000x16xf32, #tpu.memory_space<vmem>>, %arg5: memref<128x128xf32, #tpu.memory_space<vmem>>, %arg6: memref<128x128xf32, #tpu.memory_space<vmem>>, %arg7: memref<1x128xf32, #tpu.memory_space<vmem>>, %arg8: memref<1000x128xf32, #tpu.memory_space<vmem>>) attributes {dimension_semantics = [#tpu.dimension_semantics<arbitrary>], iteration_bounds = array<i64: 10>, scalar_prefetch = 0 : i64, scratch_operands = 0 : i64, tpu.core_type = #tpu.core_type<tc>, window_params = [{transform_indices = @transform_0, window_bounds = array<i64: 2, 1000, 128>}, {transform_indices = @transform_1, window_bounds = array<i64: 1000, 128>}, {transform_indices = @transform_2, window_bounds = array<i64: 1000, 128>}, {transform_indices = @transform_3, window_bounds = array<i64: 1000, 16>}, {pipeline_mode = #tpu.pipeline_mode<synchronous>, transform_indices = @transform_4, window_bounds = array<i64: 128, 128>}, {pipeline_mode = #tpu.pipeline_mode<synchronous>, transform_indices = @transform_5, window_bounds = array<i64: 128, 128>}, {pipeline_mode = #tpu.pipeline_mode<synchronous>, transform_indices = @transform_6, window_bounds = array<i64: 1, 128>}, {transform_indices = @transform_7, window_bounds = array<i64: 1000, 128>}]} {
    %get3A = arith.constant 0 : index
    %get3A_0 = arith.constant 0 : index
    %get3A_1 = arith.constant 0 : index
    %get3A_2 = vector.load %arg1[%get3A, %get3A_0, %get3A_1] : memref<2x1000x128xf32, #tpu.memory_space<vmem>>, vector<1x1000x128xf32>
    %get3A_3 = vector.shape_cast %get3A_2 : vector<1x1000x128xf32> to vector<1000x128xf32>
    %get3A_4 = arith.constant 1 : index
    %get3A_5 = arith.constant 0 : index
    %get3A_6 = arith.constant 0 : index
    %get3A_7 = vector.load %arg1[%get3A_4, %get3A_5, %get3A_6] : memref<2x1000x128xf32, #tpu.memory_space<vmem>>, vector<1x1000x128xf32>
    %get3A_8 = vector.shape_cast %get3A_7 : vector<1x1000x128xf32> to vector<1000x128xf32>
    %add3A = arith.addf %get3A_3, %get3A_8 : vector<1000x128xf32>
    %get3A_9 = arith.constant 0 : index
    %get3A_10 = arith.constant 0 : index
    %get3A_11 = vector.load %arg2[%get3A_9, %get3A_10] : memref<1000x128xf32, #tpu.memory_space<vmem>>, vector<1000x128xf32>
    %add3A_12 = arith.addf %add3A, %get3A_11 : vector<1000x128xf32>
    %get3A_13 = arith.constant 0 : index
    %get3A_14 = arith.constant 0 : index
    %get3A_15 = vector.load %arg4[%get3A_13, %get3A_14] : memref<1000x16xf32, #tpu.memory_space<vmem>>, vector<1000x1xf32>
    %mul3A = vector.broadcast %get3A_15 : vector<1000x1xf32> to vector<1000x128xf32>
    %mul3A_16 = arith.mulf %add3A_12, %mul3A : vector<1000x128xf32>
    %mul3A_17 = arith.constant 0.899999976 : f32
    %mul3A_18 = vector.broadcast %mul3A_17 : f32 to vector<1000x128xf32>
    %mul3A_19 = arith.mulf %mul3A_18, %mul3A_16 : vector<1000x128xf32>
    %get3A_20 = arith.constant 0 : index
    %get3A_21 = arith.constant 0 : index
    %get3A_22 = vector.load %arg3[%get3A_20, %get3A_21] : memref<1000x128xf32, #tpu.memory_space<vmem>>, vector<1000x128xf32>
    %mul3A_23 = arith.constant 1.000000e-01 : f32
    %mul3A_24 = vector.broadcast %mul3A_23 : f32 to vector<1000x128xf32>
    %mul3A_25 = arith.mulf %mul3A_24, %get3A_22 : vector<1000x128xf32>
    %add3A_26 = arith.addf %mul3A_19, %mul3A_25 : vector<1000x128xf32>
    %get3A_27 = arith.constant 0 : index
    %get3A_28 = arith.constant 0 : index
    %get3A_29 = vector.load %arg5[%get3A_27, %get3A_28] : memref<128x128xf32, #tpu.memory_space<vmem>>, vector<128x128xf32>
    %dot_general3A = arith.constant dense<0.000000e+00> : vector<1000x128xf32>
    %dot_general3A_30 = tpu.matmul %add3A_26, %get3A_29, %dot_general3A {dimension_numbers = #tpu.dot_dimension_numbers<[1], [0], [0], [1], [0, 0, 1, 1], [], []>, precision = #tpu.contract_precision<fp32>, transpose_lhs_hint = false} : vector<1000x128xf32>, vector<128x128xf32>, vector<1000x128xf32> -> vector<1000x128xf32>
    %max3A = arith.constant 0.000000e+00 : f32
    %max3A_31 = vector.broadcast %max3A : f32 to vector<1000x128xf32>
    %max3A_32 = arith.maximumf %dot_general3A_30, %max3A_31 : vector<1000x128xf32>
    %get3A_33 = arith.constant 0 : index
    %get3A_34 = arith.constant 0 : index
    %get3A_35 = vector.load %arg6[%get3A_33, %get3A_34] : memref<128x128xf32, #tpu.memory_space<vmem>>, vector<128x128xf32>
    %dot_general3A_36 = arith.constant dense<0.000000e+00> : vector<1000x128xf32>
    %dot_general3A_37 = tpu.matmul %max3A_32, %get3A_35, %dot_general3A_36 {dimension_numbers = #tpu.dot_dimension_numbers<[1], [0], [0], [1], [0, 0, 1, 1], [], []>, precision = #tpu.contract_precision<fp32>, transpose_lhs_hint = false} : vector<1000x128xf32>, vector<128x128xf32>, vector<1000x128xf32> -> vector<1000x128xf32>
    %get3A_38 = arith.constant 0 : index
    %get3A_39 = arith.constant 0 : index
    %get3A_40 = vector.load %arg7[%get3A_38, %get3A_39] : memref<1x128xf32, #tpu.memory_space<vmem>>, vector<1x128xf32>
    %add3A_41 = vector.broadcast %get3A_40 : vector<1x128xf32> to vector<1000x128xf32>
    %add3A_42 = arith.addf %dot_general3A_37, %add3A_41 : vector<1000x128xf32>
    %swap3A = arith.constant 0 : index
    %swap3A_43 = arith.constant 0 : index
    %swap3A_44 = vector.load %arg8[%swap3A, %swap3A_43] : memref<1000x128xf32, #tpu.memory_space<vmem>>, vector<1000x128xf32>
    tpu.vector_store %arg8[%swap3A, %swap3A_43], %add3A_42 {strides = array<i32>} : memref<1000x128xf32, #tpu.memory_space<vmem>>, vector<1000x128xf32>,
    return
  }
  func.func @transform_0(%arg0: i32) -> (i32, i32, i32) {
    %c0_i32 = arith.constant 0 : i32
    %c0_i32_0 = arith.constant 0 : i32
    %c0_i32_1 = arith.constant 0 : i32
    return %c0_i32, %arg0, %c0_i32_0 : i32, i32, i32
  }
  func.func @transform_1(%arg0: i32) -> (i32, i32) {
    %c0_i32 = arith.constant 0 : i32
    %c0_i32_0 = arith.constant 0 : i32
    return %arg0, %c0_i32 : i32, i32
  }
  func.func @transform_2(%arg0: i32) -> (i32, i32) {
    %c0_i32 = arith.constant 0 : i32
    %c0_i32_0 = arith.constant 0 : i32
    return %arg0, %c0_i32 : i32, i32
  }
  func.func @transform_3(%arg0: i32) -> (i32, i32) {
    %c0_i32 = arith.constant 0 : i32
    %c0_i32_0 = arith.constant 0 : i32
    return %arg0, %c0_i32 : i32, i32
  }
  func.func @transform_4(%arg0: i32) -> (i32, i32) {
    %c0_i32 = arith.constant 0 : i32
    %c0_i32_0 = arith.constant 0 : i32
    %c0_i32_1 = arith.constant 0 : i32
    return %c0_i32, %c0_i32_0 : i32, i32
  }
  func.func @transform_5(%arg0: i32) -> (i32, i32) {
    %c0_i32 = arith.constant 0 : i32
    %c0_i32_0 = arith.constant 0 : i32
    %c0_i32_1 = arith.constant 0 : i32
    return %c0_i32, %c0_i32_0 : i32, i32
  }
  func.func @transform_6(%arg0: i32) -> (i32, i32) {
    %c0_i32 = arith.constant 0 : i32
    %c0_i32_0 = arith.constant 0 : i32
    %c0_i32_1 = arith.constant 0 : i32
    return %c0_i32, %c0_i32_0 : i32, i32
  }
  func.func @transform_7(%arg0: i32) -> (i32, i32) {
    %c0_i32 = arith.constant 0 : i32
    %c0_i32_0 = arith.constant 0 : i32
    return %arg0, %c0_i32 : i32, i32
  }
}

</mosaic_0001>

<sc_bundles>
// kernel: kernel.10.cloned.1.call-start
scs
__scs_entry_jumppad:
0x0: {  	(pc) =	sbr.rel $0x88, $3  }
0x1: {  	(tag) =	ssettag $0x0;
	lr =	simm.s32 $0x1  }
0x2: {  	[smem:$0x3F98] =	sst lr;
	_ =	strace $0xD0000000  }
0x3: {  	_ = 	snop  }
0x4: {  	_ = 	snop  }
0x5: {  	_ = 	snop  }
0x6: {  	_ = 	snop  }
0x7: {  	_ = 	snop  }
__scs_overlays_trampoline_lowered:
0x8: {  	[smem:$0x3FA7] =	sst s0  }
0x9: {  	[smem:$0x3FA8] =	sst s1  }
0xa: {  	[smem:$0x3FA9] =	sst s2  }
0xb: {  	[smem:$0x3FAA] =	sst s3  }
0xc: {  	[smem:$0x3FAB] =	sst s4  }
0xd: {  	[smem:$0x3FAC] =	sst s5  }
0xe: {  	[smem:$0x3FAD] =	sst s6  }
0xf: {  	[smem:$0x3FAE] =	sst s7  }
0x10: {  	[smem:$0x3FAF] =	sst s8  }
0x11: {  	[smem:$0x3FB0] =	sst s9;
	s0 =	simm.s32 @!p0 $0x0  }
0x12: {  	s1 =	sld [smem:$0x3F96];
	s0 =	simm.s32 @p0 $0x1  }
0x13: {  	[smem:$0x3FB1] =	sst s0;
	s0 =	simm.s32 @!p1 $0x0  }
0x14: {  	s2 =	sld [smem:$0x3F95];
	s0 =	simm.s32 @p1 $0x1  }
0x15: {  	[smem:$0x3FB2] =	sst s0;
	s0 =	simm.s32 @!p2 $0x0  }
0x16: {  	s3 =	sld [smem:$0x3FDB];
	s0 =	simm.s32 @p2 $0x1  }
0x17: {  	s4 =	simm.s32 $0x1BF5;
	[smem:$0x3FB4] =	sst s0  }
0x18: {  	s0 =	sld [smem:$0x3F97];
	_ =	swait.ge [sflag:s4], $0x0  }
0x19: {  	s7 =	sld [smem:$0x3F98]  }
0x1a: {  	s8 =	sadd.s32 $0xFFFFE003, lr  }
0x1b: {  	s9 =	sadd.s32 $0xFFFFFEF7, lr;
	s5 =	simm.s32 $0xFFFFFFFF;
	p2 =	slt.u32 s8, $0xFFFFF086  }
0x1c: {  	p1 =	slt.u32 s9, $0xF7A;
	s5 =	simm.s32 @!p2 $0x0  }
0x1d: {  	s5 =	simm.s32 @p1 $0x1;
	p0 =	seq.s32 s7, s2  }
0x1e: {  	s7 =	smul.u32 @!p0 $0xF7A, s2;
	p2 =	seq.s32 @!p0 s5, $0x0  }
0x1f: {  	s9 =	smul.u32 $0xF7A, s1;
	s8 =	simm.s32 @!p0 $0x1BF5;
	p2 =	por !p2, p0  }
0x20: {  	[sflag:s8] =	ssyncset.s32 @!p0 $0xFFFFF086;
	s6 =	sadd.s32 @!p0 s3, s7;
	s7 =	simm.s32 @!p0 $0x108  }
0x21: {  	s3 =	sadd.s32 s3, s9;
	s6 =	sadd.s32 @!p0 $0x88, s6;
	s7 =	simm.s32 @p2 $0x1082  }
0x22: {  	[simem:s7], [sflag:s8] =	dma.local @!p0 [hbm:s6], $0xF7A  }
0x23: {  	s9 =	sor.u32 $0xD0000000, s2;
	s6 =	simm.s32 $0x108;
	_ =	swait.ge @!p0 [sflag:s8], $0x0  }
0x24: {  	s3 =	sadd.s32 $0x88, s3;
	s6 =	simm.s32 @!p1 $0x1082;
	[sflag:s4] =	ssyncset.s32 $0xFFFFF086  }
0x25: {  	[simem:s6], [sflag:s4] =	dma.local [hbm:s3], $0xF7A  }
0x26: {  	[smem:$0x3F98] =	sst s1;
	(tag) =	ssettag s2;
	_ =	strace s9  }
0x27: {  	s1 =	sld [smem:$0x3FA8]  }
0x28: {  	s2 =	sld [smem:$0x3FA9]  }
0x29: {  	s4 =	sld [smem:$0x3FAB]  }
0x2a: {  	p0 =	seq.s32 s5, $0x0;
	s5 =	sld [smem:$0x3FAC]  }
0x2b: {  	s6 =	sld [smem:$0x3FAD]  }
0x2c: {  	s7 =	sld [smem:$0x3FAE]  }
0x2d: {  	s3 =	simm.s32 $0x108;
	s8 =	sld [smem:$0x3FAF]  }
0x2e: {  	s3 =	simm.s32 @!p0 $0x1082;
	s9 =	sld [smem:$0x3FB0]  }
0x2f: {  	lr =	sadd.s32 s0, s3;
	s0 =	sld [smem:$0x3FA7]  }
0x30: {  	s3 =	sld [smem:$0x3FAA]  }
0x31: {  	[smem:$0x3FB3] =	sst s10  }
0x32: {  	s10 =	sld [smem:$0x3FB1];
	_ =	sdelay $0x3  }
0x33: {  	p0 =	seq.s32 s10, $0x1;
	s10 =	sld [smem:$0x3FB3];
	_ =	sdelay $0x3  }
0x34: {  	[smem:$0x3FB3] =	sst s10  }
0x35: {  	s10 =	sld [smem:$0x3FB2];
	_ =	sdelay $0x3  }
0x36: {  	p1 =	seq.s32 s10, $0x1;
	s10 =	sld [smem:$0x3FB3];
	_ =	sdelay $0x3  }
0x37: {  	[smem:$0x3FB3] =	sst s10  }
0x38: {  	s10 =	sld [smem:$0x3FB4]  }
0x39: {  	_ = 	snop;
	(pc) =	sbr.ind lr, $3  }
0x3a: {  	_ = 	snop  }
0x3b: {  	_ = 	snop  }
0x3c: {  	p2 =	seq.s32 s10, $0x1;
	s10 =	sld [smem:$0x3FB3]  }
0x3d: {  	_ =	shalt  }
0x3e: {  	_ =	shalt  }
0x3f: {  	_ =	shalt  }
0x40: {  	_ =	shalt  }
0x41: {  	_ =	shalt  }
0x42: {  	_ =	shalt  }
0x43: {  	_ =	shalt  }
0x44: {  	_ =	shalt  }
0x45: {  	_ =	shalt  }
0x46: {  	_ =	shalt  }
0x47: {  	_ =	shalt  }
0x48: {  	_ =	shalt  }
0x49: {  	_ =	shalt  }
0x4a: {  	_ =	shalt  }
0x4b: {  	_ =	shalt  }
0x4c: {  	_ =	shalt  }
0x4d: {  	_ =	shalt  }
0x4e: {  	_ =	shalt  }
0x4f: {  	_ =	shalt  }
0x50: {  	_ =	shalt  }
0x51: {  	_ =	shalt  }
0x52: {  	_ =	shalt  }
0x53: {  	_ =	shalt  }
0x54: {  	_ =	shalt  }
0x55: {  	_ =	shalt  }
0x56: {  	_ =	shalt  }
0x57: {  	_ =	shalt  }
0x58: {  	_ =	shalt  }
0x59: {  	_ =	shalt  }
0x5a: {  	_ =	shalt  }
0x5b: {  	_ =	shalt  }
0x5c: {  	_ =	shalt  }
0x5d: {  	_ =	shalt  }
0x5e: {  	_ =	shalt  }
0x5f: {  	_ =	shalt  }
0x60: {  	_ =	shalt  }
0x61: {  	_ =	shalt  }
0x62: {  	_ =	shalt  }
0x63: {  	_ =	shalt  }
0x64: {  	_ =	shalt  }
0x65: {  	_ =	shalt  }
0x66: {  	_ =	shalt  }
0x67: {  	_ =	shalt  }
0x68: {  	_ =	shalt  }
0x69: {  	_ =	shalt  }
0x6a: {  	_ =	shalt  }
0x6b: {  	_ =	shalt  }
0x6c: {  	_ =	shalt  }
0x6d: {  	_ =	shalt  }
0x6e: {  	_ =	shalt  }
0x6f: {  	_ =	shalt  }
0x70: {  	_ =	shalt  }
0x71: {  	_ =	shalt  }
0x72: {  	_ =	shalt  }
0x73: {  	_ =	shalt  }
0x74: {  	_ =	shalt  }
0x75: {  	_ =	shalt  }
0x76: {  	_ =	shalt  }
0x77: {  	_ =	shalt  }
0x78: {  	_ =	shalt  }
0x79: {  	_ =	shalt  }
0x7a: {  	_ =	shalt  }
0x7b: {  	_ =	shalt  }
0x7c: {  	_ =	shalt  }
0x7d: {  	_ =	shalt  }
0x7e: {  	_ =	shalt  }
0x7f: {  	_ =	shalt  }
0x80: {  	_ =	shalt  }
0x81: {  	_ =	shalt  }
0x82: {  	_ =	shalt  }
0x83: {  	_ =	shalt  }
0x84: {  	_ =	shalt  }
0x85: {  	_ =	shalt  }
0x86: {  	_ =	shalt  }
0x87: {  	_ =	shalt  }
.Lfunc_end0:
.L_simem_size_0:
called_computation_lowered:
.L_overlay_start_0:
0x88: {  	s2 =	sld [smem:$0x3FD9]  }
0x89: {  	s3 =	sld [smem:$0x3FFE];
	_ =	sdelay $0x1  }
0x8a: {  	s1 =	srdreg.scid  }
0x8b: {  	s0 =	sand.u32 $0x1, s1  }
0x8c: {  	s17 =	sshll.u32 s0, $0xA;
	s2 =	sadd.s32 s3, s2  }
0x8d: {  	s2 =	sadd.s32 s2, s17  }
0x8e: {  	[smem:$0x3FBF] =	sst s2  }
0x8f: {  	_ = 	snop  }
0x90: {  	s2 =	sld [smem:$0x3FD0];
	(tm) =	ssettm $0x1  }
0x91: {  	s18 =	sld [smem:$0x3FFB];
	_ =	sdelay $0x3  }
0x92: {  	_ =	strace s18  }
0x93: {  	s3 =	sld [smem:$0x3FFC];
	_ =	sdelay $0x3  }
0x94: {  	_ =	strace s3  }
0x95: {  	s3 =	sld [smem:$0x3FFD];
	_ =	sdelay $0x3  }
0x96: {  	_ =	strace s3  }
0x97: {  	_ =	strace $0x8FFFFFFF  }
0x98: {  	s19 =	sld [smem:$0x3FDB];
	_ =	sdelay $0x1  }
0x99: {  	s4 =	simm.s32 $_scs_section_size  }
0x9a: {  	s5 =	simm.s32 $_size__tile_overlayer_lowered;
	s6 =	simm.s32 $_tile_overlayer_lowered  }
0x9b: {  	s22 =	simm.s32 $0x1BFF;
	s21 =	sshll.u32 s6, $0x1;
	s3 =	sadd.s32 s4, s19  }
0x9c: {  	s7 =	simm.s32 $0x0;
	s20 =	sshll.u32 s5, $0x1;
	s5 =	sadd.s32 s21, s3  }
0x9d: {  	[timem:s7], [sflag:s22] =	dma.local [hbm:s5], s20  }
0x9e: {  	_ =	swait.ge [sflag:s22], s20  }
0x9f: {  	s4 =	ssub.s32 $0x0, s20;
	[sflag:s22] =	ssyncset.done $0x0  }
0xa0: {  	[sflag:s22] =	ssyncadd.s32 s4;
	_ =	sdelay $0x1  }
0xa1: {  	s23 =	simm.s32 $0x1B8B  }
0xa2: {  	_ =	swait.ge [sflag:s23], $0x1  }
0xa3: {  	[sflag:s23] =	ssyncset.done $0x0  }
0xa4: {  	s25 =	simm.s32 $0x1B8E;
	s24 =	sld [smem:$0x3FFE];
	[sflag:s23] =	ssyncadd.s32 $0xFFFFFFFF  }
0xa5: {  	s26 =	simm.s32 $execute0_lowered;
	[smem:$0x3FD2] =	sst s25  }
0xa6: {  	s5 =	sshll.u32 s26, $0x1;
	_ =	strace $0x80000046;
	[dreg:$0x1] =	wrdreg $0xFFFFFFFF  }
0xa7: {  	s28 =	simm.s32 $_size_execute0_lowered;
	s3 =	sadd.s32 s3, s5;
	[dreg:$0x0] =	wrdreg $0x0  }
0xa8: {  	s5 =	sshll.u32 s28, $0x1;
	[dreg:$0x2] =	wrdreg s3  }
0xa9: {  	[dreg:$0x3] =	wrdreg s5  }
0xaa: {  	[dreg:$0x4] =	wrdreg $0xC0  }
0xab: {  	_ =	task [dreg:s7], $0x5FFFF  }
0xac: {  	[dreg:$0x1] =	wrdreg $0xFFFFFFFF  }
0xad: {  	[dreg:$0x0] =	wrdreg $0x60  }
0xae: {  	[dreg:$0x2] =	wrdreg s24  }
0xaf: {  	[dreg:$0x3] =	wrdreg s2  }
0xb0: {  	[dreg:$0x4] =	wrdreg $0x40800  }
0xb1: {  	[dreg:$0x5] =	wrdreg $0x9  }
0xb2: {  	_ =	task.clear_ibuf [dreg:s7], $0x6FFFF;
	_ =	strace $0x90000046  }
0xb3: {  	s29 =	simm.s32 $0x9;
	_ =	strace $0x80000048  }
0xb4: {  	_ =	swait.ge [sflag:s29], $0x1  }
0xb5: {  	[sflag:s29] =	ssyncadd.s32 $0xFFFFFFFF  }
0xb6: {  	_ =	strace $0x90000048  }
0xb7: {  	_ =	sfence  }
0xb8: {  	s30 =	sld [smem:$0x0];
	_ =	sdelay $0x2  }
0xb9: {  	s31 =	sshll.u32 s1, $0xD;
	s1 =	sshrl.u32 s1, $0x2  }
0xba: {  	s3 =	sand.u32 $0x4000, s31;
	s1 =	sadd.s32 s1, s30  }
0xbb: {  	s0 =	sor.u32 s3, s0;
	s1 =	sshll.u32 s1, $0x11  }
0xbc: {  	s0 =	sor.u32 s1, s0  }
0xbd: {  	s0 =	sadd.s32 $0x8F2B, s0  }
0xbe: {  	[sflag:s0] =	ssyncadd.remote.s32 $0x1  }
0xbf: {  	_ =	sfence.sel $0xFFFF  }
0xc0: {  	[dreg:$0x0] =	wrdreg $0xFFFFFFFF;
	(pc) =	sbr.abs _section_cstart, $3  }
0xc1: {  	[dreg:$0x1] =	wrdreg $0xFFFFFFFF  }
0xc2: {  	_ =	task.clear_ibuf [dreg:s7], $0x2FFFF;
	_ =	strace $0x9FFFFFFF  }
0xc3: {  	(tm) =	ssettm $0x7FFFFFFF  }
tec
execute0_lowered:
.L_overlay_start_1:
0x0: {  	(tag) =	ssettag $0x1  }
0x1: {  	s6 =	rddreg [dreg:$0x0]  }
0x2: {  	s2 =	rddreg [dreg:$0x1];
	s1 =	stileid.u32  }
0x3: {  	s0 =	srdreg.scid;
	s8 =	smul.u32 $0x14000, s1  }
0x4: {  	s3 =	rddreg [dreg:$0x2];
	s4 =	simm.s32 $0x0;
	s10 =	smul.u32 $0x50000, s1  }
0x5: {  	s7 =	sand.u32 $0x1, s0;
	s0 =	rddreg [dreg:$0x3];
	s11 =	smul.u32 $0x500, s1  }
0x6: {  	s13 =	simm.s32 $0x0;
	[smem:$0x7FF] =	sst s4;
	s5 =	smul.u32 $0x140000, s7  }
0x7: {  	s30 =	sshll.u32 s1, $0x6;
	s9 =	smul.u32 $0x5000, s7;
	s29 =	ssub.s32 $0x2, s7  }
0x8: {  	_ =	strace $0x80000047;
	s7 =	sshrl.u32 s29, $0x1;
	s10 =	sshrl.u32 s10, $0x2  }
0x9: {  	s5 =	sadd.s32 s8, s5;
	s26 =	sadd.s32 s9, s6;
	s12 =	ssub.s32 s29, s7  }
0xa: {  	s10 =	sadd.s32 s10, s3;
	s28 =	sshrl.u32 s5, $0x3;
	s5 =	sadd.s32 $0xCC00, s6  }
0xb: {  	s31 =	sadd.s32 s11, s26;
	s8 =	smax.u32 s12, $0x1;
	s10 =	sshrl.u32 s10, $0x3  }
0xc: {  	s11 =	simm.s32 $0x1;
	s12 =	simm.s32 $0x80;
	s9 =	sadd.s32 s28, s6  }
0xd: {  	s6 =	sor.u32 $0x1C01, s30;
	s7 =	sadd.s32 $0xF400, s9;
	s9 =	sadd.s32 $0x2C00, s31  }
.LBB2_1:
0xe: {  	[spmem:s10], [sflag:s6] =	dma.local [hbm:s5], $0x2800  }
0xf: {  	_ =	swait.ge [sflag:s11], $0x2800  }
0x10: {  	[sflag:s11] =	ssyncset.done $0x0  }
0x11: {  	[sflag:s11] =	ssyncadd.s32 $0xFFFFD800  }
0x12: {  	[tilespmem:s12], [sflag:$0x1] =	stream.linear.gather [hbm4b:s2+s4], $0x4000, $0x38;
	[tilespmem:$0x18080] =	vst v63  }
0x13: {  	_ =	swait.ge [sflag:s11], $0x4000  }
0x14: {  	[sflag:s11] =	ssyncset.done $0x0  }
0x15: {  	[sflag:s11] =	ssyncadd.s32 $0xFFFFC000  }
0x16: {  	s14 =	sadd.s32 $0x0, s9;
	[bflag:$0x0] =	sbarrier.arrive $0xFFFF  }
0x17: {  	[tilespmem:s4], [sflag:$0x1] =	stream.linear.gather [hbm4b:s14+s4], $0x80, $0x38;
	[tilespmem:$0x18080] =	vst v63  }
0x18: {  	_ =	swait.ge [sflag:s11], $0x80  }
0x19: {  	[sflag:s11] =	ssyncset.done $0x0  }
0x1a: {  	[sflag:s11] =	ssyncadd.s32 $0xFFFFFF80  }
0x1b: {  	[spmem:s3] =	stream.indirect.scatter.add.f32 [tilespmem:s12], [sflag:$0x1], $0x80, s4, s12, $0xb8;
	[tilespmem:$0x18080] =	vst v63  }
0x1c: {  	_ =	swait.ge [sflag:s11], $0x4000  }
0x1d: {  	s15 =	simm.s32 $0x20;
	s14 =	simm.s32 $0x10;
	[sflag:s11] =	ssyncset.done $0x0  }
.LBB2_2:
0x1e: {  	s16 =	sadd.s32 s14, s9  }
0x1f: {  	[sflag:s11] =	ssyncadd.s32 $0xFFFFC000;
	s14 =	smov.u32 s15;
	s17 =	sadd.s32 $0x10, s15  }
0x20: {  	[tilespmem:s4], [sflag:$0x1] =	stream.linear.gather [hbm4b:s16+s4], $0x80, $0x38;
	[tilespmem:$0x18080] =	vst v63  }
0x21: {  	p0 =	sne.s32 s15, $0x4F0;
	_ =	swait.ge [sflag:s11], $0x80  }
.Ltmp0:
0x22: {  	[sflag:s11] =	ssyncset.done $0x0;
	(pc) =	sbr.rel @p0 .LBB2_2-.Ltmp0, $4  }
0x23: {  	[sflag:s11] =	ssyncadd.s32 $0xFFFFFF80  }
0x24: {  	[spmem:s3] =	stream.indirect.scatter.add.f32 [tilespmem:s12], [sflag:$0x1], $0x80, s4, s12, $0xb8;
	[tilespmem:$0x18080] =	vst v63  }
0x25: {  	_ =	swait.ge [sflag:s11], $0x4000  }
0x26: {  	s15 =	smov.u32 s17;
	[sflag:s11] =	ssyncset.done $0x0  }
0x27: {  	s14 =	sadd.s32 s14, s9;
	[sflag:s11] =	ssyncadd.s32 $0xFFFFC000  }
0x28: {  	[tilespmem:s4], [sflag:$0x1] =	stream.linear.gather [hbm4b:s14+s4], $0x80, $0x38;
	[tilespmem:$0x18080] =	vst v63  }
0x29: {  	_ =	swait.ge [sflag:s11], $0x80  }
0x2a: {  	[sflag:s11] =	ssyncset.done $0x0  }
0x2b: {  	[sflag:s11] =	ssyncadd.s32 $0xFFFFFF80  }
0x2c: {  	[spmem:s3] =	stream.indirect.scatter.add.f32 [tilespmem:s12], [sflag:$0x1], $0x80, s4, s12, $0xb8;
	[tilespmem:$0x18080] =	vst v63  }
0x2d: {  	_ =	swait.ge [sflag:s11], $0x4000  }
0x2e: {  	s13 =	sadd.s32 $0x1, s13;
	[sflag:s11] =	ssyncset.done $0x0  }
0x2f: {  	p0 =	sne.s32 s13, s8;
	[sflag:s11] =	ssyncadd.s32 $0xFFFFC000  }
.Ltmp1:
0x30: {  	[bflag:$0x0] =	sbarrier.arrive $0xFFFF;
	(pc) =	sbr.rel @p0 .LBB2_1-.Ltmp1, $4  }
0x31: {  	[hbm:s7], [sflag:s6] =	dma.local [spmem:s10], $0x2800  }
0x32: {  	_ =	swait.ge [sflag:s11], $0x2800  }
0x33: {  	[sflag:s11] =	ssyncset.done $0x0  }
0x34: {  	[sflag:s11] =	ssyncadd.s32 $0xFFFFD800  }
0x35: {  	_ =	sfence.sel $0x180000  }
0x36: {  	[bflag:$0x0] =	sbarrier.arrive $0xFFFF  }
0x37: {  	p0 =	sne.s32 s1, $0x0;
	_ =	strace $0x90000047  }
0x38: {  	s0 =	sadd.s32 @!p0 $0x100000, s0;
	[bflag:$0x2] =	sbarrier.arrive $0xFFFF  }
0x39: {  	[sflag:s0] =	ssyncadd.tile.s32 @!p0 $0x1;
	_ =	shalt  }
.Lfunc_end2:
_tile_overlayer_lowered:
.L_overlay_start_2:
0x3a: {  	(tag) =	ssettag $0x2  }
0x3b: {  	s0 =	rddreg [dreg:$0x0];
	s2 =	stileid.u32  }
0x3c: {  	s1 =	rddreg [dreg:$0x1];
	p0 =	sne.s32 s2, $0x0  }
0x3d: {  	s3 =	rddreg [dreg:$0x2];
	[bflag:$0x3] =	sbarrier.arrive $0xFFFF;
	s2 =	simm.s32 @!p0 $0x1C01  }
0x3e: {  	[timem:s3], [sflag:s2] =	dma.local @!p0 [hbm:s0], s1  }
0x3f: {  	s0 =	simm.s32 @!p0 $0x1  }
0x40: {  	_ =	swait.ge @!p0 [sflag:s0], s1  }
0x41: {  	s1 =	ssub.s32 @!p0 $0x0, s1;
	[sflag:s0] =	ssyncset.done @!p0 $0x0  }
0x42: {  	[sflag:s0] =	ssyncadd.s32 @!p0 s1  }
0x43: {  	[bflag:$0x3] =	sbarrier.arrive $0xFFFF  }
0x44: {  	_ =	shalt  }

// kernel: kernel.13.cloned.1.call-start
scs
__scs_entry_jumppad:
0x0: {  	(pc) =	sbr.rel $0x88, $3  }
0x1: {  	(tag) =	ssettag $0x0;
	lr =	simm.s32 $0x1  }
0x2: {  	[smem:$0x3F98] =	sst lr;
	_ =	strace $0xD0000000  }
0x3: {  	_ = 	snop  }
0x4: {  	_ = 	snop  }
0x5: {  	_ = 	snop  }
0x6: {  	_ = 	snop  }
0x7: {  	_ = 	snop  }
__scs_overlays_trampoline_lowered:
0x8: {  	[smem:$0x3FA7] =	sst s0  }
0x9: {  	[smem:$0x3FA8] =	sst s1  }
0xa: {  	[smem:$0x3FA9] =	sst s2  }
0xb: {  	[smem:$0x3FAA] =	sst s3  }
0xc: {  	[smem:$0x3FAB] =	sst s4  }
0xd: {  	[smem:$0x3FAC] =	sst s5  }
0xe: {  	[smem:$0x3FAD] =	sst s6  }
0xf: {  	[smem:$0x3FAE] =	sst s7  }
0x10: {  	[smem:$0x3FAF] =	sst s8  }
0x11: {  	[smem:$0x3FB0] =	sst s9;
	s0 =	simm.s32 @!p0 $0x0  }
0x12: {  	s1 =	sld [smem:$0x3F96];
	s0 =	simm.s32 @p0 $0x1  }
0x13: {  	[smem:$0x3FB1] =	sst s0;
	s0 =	simm.s32 @!p1 $0x0  }
0x14: {  	s2 =	sld [smem:$0x3F95];
	s0 =	simm.s32 @p1 $0x1  }
0x15: {  	[smem:$0x3FB2] =	sst s0;
	s0 =	simm.s32 @!p2 $0x0  }
0x16: {  	s3 =	sld [smem:$0x3FDB];
	s0 =	simm.s32 @p2 $0x1  }
0x17: {  	s4 =	simm.s32 $0x1BF5;
	[smem:$0x3FB4] =	sst s0  }
0x18: {  	s0 =	sld [smem:$0x3F97];
	_ =	swait.ge [sflag:s4], $0x0  }
0x19: {  	s7 =	sld [smem:$0x3F98]  }
0x1a: {  	s8 =	sadd.s32 $0xFFFFE003, lr  }
0x1b: {  	s9 =	sadd.s32 $0xFFFFFEF7, lr;
	s5 =	simm.s32 $0xFFFFFFFF;
	p2 =	slt.u32 s8, $0xFFFFF086  }
0x1c: {  	p1 =	slt.u32 s9, $0xF7A;
	s5 =	simm.s32 @!p2 $0x0  }
0x1d: {  	s5 =	simm.s32 @p1 $0x1;
	p0 =	seq.s32 s7, s2  }
0x1e: {  	s7 =	smul.u32 @!p0 $0xF7A, s2;
	p2 =	seq.s32 @!p0 s5, $0x0  }
0x1f: {  	s9 =	smul.u32 $0xF7A, s1;
	s8 =	simm.s32 @!p0 $0x1BF5;
	p2 =	por !p2, p0  }
0x20: {  	[sflag:s8] =	ssyncset.s32 @!p0 $0xFFFFF086;
	s6 =	sadd.s32 @!p0 s3, s7;
	s7 =	simm.s32 @!p0 $0x108  }
0x21: {  	s3 =	sadd.s32 s3, s9;
	s6 =	sadd.s32 @!p0 $0x88, s6;
	s7 =	simm.s32 @p2 $0x1082  }
0x22: {  	[simem:s7], [sflag:s8] =	dma.local @!p0 [hbm:s6], $0xF7A  }
0x23: {  	s9 =	sor.u32 $0xD0000000, s2;
	s6 =	simm.s32 $0x108;
	_ =	swait.ge @!p0 [sflag:s8], $0x0  }
0x24: {  	s3 =	sadd.s32 $0x88, s3;
	s6 =	simm.s32 @!p1 $0x1082;
	[sflag:s4] =	ssyncset.s32 $0xFFFFF086  }
0x25: {  	[simem:s6], [sflag:s4] =	dma.local [hbm:s3], $0xF7A  }
0x26: {  	[smem:$0x3F98] =	sst s1;
	(tag) =	ssettag s2;
	_ =	strace s9  }
0x27: {  	s1 =	sld [smem:$0x3FA8]  }
0x28: {  	s2 =	sld [smem:$0x3FA9]  }
0x29: {  	s4 =	sld [smem:$0x3FAB]  }
0x2a: {  	p0 =	seq.s32 s5, $0x0;
	s5 =	sld [smem:$0x3FAC]  }
0x2b: {  	s6 =	sld [smem:$0x3FAD]  }
0x2c: {  	s7 =	sld [smem:$0x3FAE]  }
0x2d: {  	s3 =	simm.s32 $0x108;
	s8 =	sld [smem:$0x3FAF]  }
0x2e: {  	s3 =	simm.s32 @!p0 $0x1082;
	s9 =	sld [smem:$0x3FB0]  }
0x2f: {  	lr =	sadd.s32 s0, s3;
	s0 =	sld [smem:$0x3FA7]  }
0x30: {  	s3 =	sld [smem:$0x3FAA]  }
0x31: {  	[smem:$0x3FB3] =	sst s10  }
0x32: {  	s10 =	sld [smem:$0x3FB1];
	_ =	sdelay $0x3  }
0x33: {  	p0 =	seq.s32 s10, $0x1;
	s10 =	sld [smem:$0x3FB3];
	_ =	sdelay $0x3  }
0x34: {  	[smem:$0x3FB3] =	sst s10  }
0x35: {  	s10 =	sld [smem:$0x3FB2];
	_ =	sdelay $0x3  }
0x36: {  	p1 =	seq.s32 s10, $0x1;
	s10 =	sld [smem:$0x3FB3];
	_ =	sdelay $0x3  }
0x37: {  	[smem:$0x3FB3] =	sst s10  }
0x38: {  	s10 =	sld [smem:$0x3FB4]  }
0x39: {  	_ = 	snop;
	(pc) =	sbr.ind lr, $3  }
0x3a: {  	_ = 	snop  }
0x3b: {  	_ = 	snop  }
0x3c: {  	p2 =	seq.s32 s10, $0x1;
	s10 =	sld [smem:$0x3FB3]  }
0x3d: {  	_ =	shalt  }
0x3e: {  	_ =	shalt  }
0x3f: {  	_ =	shalt  }
0x40: {  	_ =	shalt  }
0x41: {  	_ =	shalt  }
0x42: {  	_ =	shalt  }
0x43: {  	_ =	shalt  }
0x44: {  	_ =	shalt  }
0x45: {  	_ =	shalt  }
0x46: {  	_ =	shalt  }
0x47: {  	_ =	shalt  }
0x48: {  	_ =	shalt  }
0x49: {  	_ =	shalt  }
0x4a: {  	_ =	shalt  }
0x4b: {  	_ =	shalt  }
0x4c: {  	_ =	shalt  }
0x4d: {  	_ =	shalt  }
0x4e: {  	_ =	shalt  }
0x4f: {  	_ =	shalt  }
0x50: {  	_ =	shalt  }
0x51: {  	_ =	shalt  }
0x52: {  	_ =	shalt  }
0x53: {  	_ =	shalt  }
0x54: {  	_ =	shalt  }
0x55: {  	_ =	shalt  }
0x56: {  	_ =	shalt  }
0x57: {  	_ =	shalt  }
0x58: {  	_ =	shalt  }
0x59: {  	_ =	shalt  }
0x5a: {  	_ =	shalt  }
0x5b: {  	_ =	shalt  }
0x5c: {  	_ =	shalt  }
0x5d: {  	_ =	shalt  }
0x5e: {  	_ =	shalt  }
0x5f: {  	_ =	shalt  }
0x60: {  	_ =	shalt  }
0x61: {  	_ =	shalt  }
0x62: {  	_ =	shalt  }
0x63: {  	_ =	shalt  }
0x64: {  	_ =	shalt  }
0x65: {  	_ =	shalt  }
0x66: {  	_ =	shalt  }
0x67: {  	_ =	shalt  }
0x68: {  	_ =	shalt  }
0x69: {  	_ =	shalt  }
0x6a: {  	_ =	shalt  }
0x6b: {  	_ =	shalt  }
0x6c: {  	_ =	shalt  }
0x6d: {  	_ =	shalt  }
0x6e: {  	_ =	shalt  }
0x6f: {  	_ =	shalt  }
0x70: {  	_ =	shalt  }
0x71: {  	_ =	shalt  }
0x72: {  	_ =	shalt  }
0x73: {  	_ =	shalt  }
0x74: {  	_ =	shalt  }
0x75: {  	_ =	shalt  }
0x76: {  	_ =	shalt  }
0x77: {  	_ =	shalt  }
0x78: {  	_ =	shalt  }
0x79: {  	_ =	shalt  }
0x7a: {  	_ =	shalt  }
0x7b: {  	_ =	shalt  }
0x7c: {  	_ =	shalt  }
0x7d: {  	_ =	shalt  }
0x7e: {  	_ =	shalt  }
0x7f: {  	_ =	shalt  }
0x80: {  	_ =	shalt  }
0x81: {  	_ =	shalt  }
0x82: {  	_ =	shalt  }
0x83: {  	_ =	shalt  }
0x84: {  	_ =	shalt  }
0x85: {  	_ =	shalt  }
0x86: {  	_ =	shalt  }
0x87: {  	_ =	shalt  }
.Lfunc_end0:
.L_simem_size_0:
called_computation.1_lowered:
.L_overlay_start_0:
0x88: {  	s2 =	sld [smem:$0x3FD9]  }
0x89: {  	s3 =	sld [smem:$0x3FFE];
	_ =	sdelay $0x1  }
0x8a: {  	s1 =	srdreg.scid  }
0x8b: {  	s0 =	sand.u32 $0x1, s1  }
0x8c: {  	s17 =	sshll.u32 s0, $0xA;
	s2 =	sadd.s32 s3, s2  }
0x8d: {  	s2 =	sadd.s32 s2, s17  }
0x8e: {  	[smem:$0x3FBF] =	sst s2  }
0x8f: {  	_ = 	snop  }
0x90: {  	s2 =	sld [smem:$0x3FD0];
	(tm) =	ssettm $0x1  }
0x91: {  	s18 =	sld [smem:$0x3FFB];
	_ =	sdelay $0x3  }
0x92: {  	_ =	strace s18  }
0x93: {  	s3 =	sld [smem:$0x3FFC];
	_ =	sdelay $0x3  }
0x94: {  	_ =	strace s3  }
0x95: {  	s3 =	sld [smem:$0x3FFD];
	_ =	sdelay $0x3  }
0x96: {  	_ =	strace s3  }
0x97: {  	_ =	strace $0x8FFFFFFF  }
0x98: {  	s19 =	sld [smem:$0x3FDB];
	_ =	sdelay $0x1  }
0x99: {  	s4 =	simm.s32 $_scs_section_size  }
0x9a: {  	s5 =	simm.s32 $_size__tile_overlayer_lowered;
	s6 =	simm.s32 $_tile_overlayer_lowered  }
0x9b: {  	s22 =	simm.s32 $0x1BFF;
	s21 =	sshll.u32 s6, $0x1;
	s3 =	sadd.s32 s4, s19  }
0x9c: {  	s7 =	simm.s32 $0x0;
	s20 =	sshll.u32 s5, $0x1;
	s5 =	sadd.s32 s21, s3  }
0x9d: {  	[timem:s7], [sflag:s22] =	dma.local [hbm:s5], s20  }
0x9e: {  	_ =	swait.ge [sflag:s22], s20  }
0x9f: {  	s4 =	ssub.s32 $0x0, s20;
	[sflag:s22] =	ssyncset.done $0x0  }
0xa0: {  	[sflag:s22] =	ssyncadd.s32 s4;
	_ =	sdelay $0x1  }
0xa1: {  	s23 =	simm.s32 $0x1B8B  }
0xa2: {  	_ =	swait.ge [sflag:s23], $0x1  }
0xa3: {  	[sflag:s23] =	ssyncset.done $0x0  }
0xa4: {  	s25 =	simm.s32 $0x1B8E;
	s24 =	sld [smem:$0x3FFE];
	[sflag:s23] =	ssyncadd.s32 $0xFFFFFFFF  }
0xa5: {  	s26 =	simm.s32 $execute0_lowered;
	[smem:$0x3FD2] =	sst s25  }
0xa6: {  	s5 =	sshll.u32 s26, $0x1;
	_ =	strace $0x80000049;
	[dreg:$0x1] =	wrdreg $0xFFFFFFFF  }
0xa7: {  	s28 =	simm.s32 $_size_execute0_lowered;
	s3 =	sadd.s32 s3, s5;
	[dreg:$0x0] =	wrdreg $0x0  }
0xa8: {  	s5 =	sshll.u32 s28, $0x1;
	[dreg:$0x2] =	wrdreg s3  }
0xa9: {  	[dreg:$0x3] =	wrdreg s5  }
0xaa: {  	[dreg:$0x4] =	wrdreg $0xC0  }
0xab: {  	_ =	task [dreg:s7], $0x5FFFF  }
0xac: {  	[dreg:$0x1] =	wrdreg $0xFFFFFFFF  }
0xad: {  	[dreg:$0x0] =	wrdreg $0x60  }
0xae: {  	[dreg:$0x2] =	wrdreg s24  }
0xaf: {  	[dreg:$0x3] =	wrdreg s2  }
0xb0: {  	[dreg:$0x4] =	wrdreg $0x41000  }
0xb1: {  	[dreg:$0x5] =	wrdreg $0x9  }
0xb2: {  	_ =	task.clear_ibuf [dreg:s7], $0x6FFFF;
	_ =	strace $0x90000049  }
0xb3: {  	s29 =	simm.s32 $0x9;
	_ =	strace $0x8000004B  }
0xb4: {  	_ =	swait.ge [sflag:s29], $0x1  }
0xb5: {  	[sflag:s29] =	ssyncadd.s32 $0xFFFFFFFF  }
0xb6: {  	_ =	strace $0x9000004B  }
0xb7: {  	_ =	sfence  }
0xb8: {  	s30 =	sld [smem:$0x0];
	_ =	sdelay $0x2  }
0xb9: {  	s31 =	sshll.u32 s1, $0xD;
	s1 =	sshrl.u32 s1, $0x2  }
0xba: {  	s3 =	sand.u32 $0x4000, s31;
	s1 =	sadd.s32 s1, s30  }
0xbb: {  	s0 =	sor.u32 s3, s0;
	s1 =	sshll.u32 s1, $0x11  }
0xbc: {  	s0 =	sor.u32 s1, s0  }
0xbd: {  	s0 =	sadd.s32 $0x8F2B, s0  }
0xbe: {  	[sflag:s0] =	ssyncadd.remote.s32 $0x1  }
0xbf: {  	_ =	sfence.sel $0xFFFF  }
0xc0: {  	[dreg:$0x0] =	wrdreg $0xFFFFFFFF;
	(pc) =	sbr.abs _section_cstart, $3  }
0xc1: {  	[dreg:$0x1] =	wrdreg $0xFFFFFFFF  }
0xc2: {  	_ =	task.clear_ibuf [dreg:s7], $0x2FFFF;
	_ =	strace $0x9FFFFFFF  }
0xc3: {  	(tm) =	ssettm $0x7FFFFFFF  }
tec
execute0_lowered:
.L_overlay_start_1:
0x0: {  	(tag) =	ssettag $0x1  }
0x1: {  	s6 =	rddreg [dreg:$0x0]  }
0x2: {  	s2 =	rddreg [dreg:$0x1];
	s0 =	srdreg.scid  }
0x3: {  	s3 =	rddreg [dreg:$0x2];
	s1 =	stileid.u32  }
0x4: {  	s4 =	simm.s32 $0x0;
	s14 =	simm.s32 $0x100;
	s8 =	smul.u32 $0x14000, s1  }
0x5: {  	s15 =	simm.s32 $0x1;
	s16 =	simm.s32 $0x0;
	s10 =	smul.u32 $0x50000, s1  }
0x6: {  	s7 =	sand.u32 $0x1, s0;
	s0 =	rddreg [dreg:$0x3];
	s11 =	smul.u32 $0x500, s1  }
0x7: {  	[smem:$0x7FF] =	sst s4;
	s30 =	sshll.u32 s1, $0x6;
	s5 =	smul.u32 $0x140000, s7  }
0x8: {  	s9 =	smul.u32 $0x5000, s7;
	_ =	strace $0x8000004A;
	s29 =	ssub.s32 $0x2, s7  }
0x9: {  	s7 =	sshrl.u32 s29, $0x1;
	s10 =	sshrl.u32 s10, $0x2;
	s5 =	sadd.s32 s8, s5  }
0xa: {  	s26 =	sadd.s32 s9, s6;
	s12 =	ssub.s32 s29, s7;
	s13 =	sadd.s32 s10, s3  }
0xb: {  	s28 =	sshrl.u32 s5, $0x3;
	s5 =	sadd.s32 $0xCC00, s6;
	s31 =	sadd.s32 s11, s26  }
0xc: {  	s8 =	smax.u32 s12, $0x1;
	s11 =	sshrl.u32 s13, $0x3;
	s12 =	simm.s32 $0x2  }
0xd: {  	s13 =	simm.s32 $0x80;
	s9 =	sadd.s32 s28, s6;
	s6 =	sor.u32 $0x1C02, s30  }
0xe: {  	s10 =	sadd.s32 $0x5F400, s31;
	s7 =	sadd.s32 $0xF400, s9;
	s9 =	sadd.s32 $0x2C00, s31  }
.LBB2_1:
0xf: {  	[spmem:s11], [sflag:s6] =	dma.local [hbm:s5], $0x2800  }
0x10: {  	_ =	swait.ge [sflag:s12], $0x2800  }
0x11: {  	[sflag:s12] =	ssyncset.done $0x0  }
0x12: {  	[sflag:s12] =	ssyncadd.s32 $0xFFFFD800  }
0x13: {  	s17 =	sadd.s32 $0x0, s10;
	[bflag:$0x0] =	sbarrier.arrive $0xFFFF  }
0x14: {  	[tilespmem:s4], [sflag:$0x2] =	stream.linear.gather [hbm4b:s17+s4], $0x80, $0x38;
	[tilespmem:$0x18100] =	vst v63  }
0x15: {  	_ =	swait.ge [sflag:s12], $0x80  }
0x16: {  	[sflag:s12] =	ssyncset.done $0x0  }
0x17: {  	[sflag:s12] =	ssyncadd.s32 $0xFFFFFF80  }
0x18: {  	[tilespmem:s14], [sflag:$0x1] =	stream.indirect.gather [hbm4b:s2+s13], $0x80, s4, s13, $0xb8;
	[tilespmem:$0x18100] =	vst v63  }
0x19: {  	_ =	swait.ge [sflag:s15], $0x4000  }
0x1a: {  	[sflag:s15] =	ssyncset.done $0x0  }
0x1b: {  	s31 =	sadd.s32 $0x0, s9;
	[sflag:s15] =	ssyncadd.s32 $0xFFFFC000  }
0x1c: {  	[tilespmem:s13], [sflag:$0x2] =	stream.linear.gather [hbm4b:s31+s4], $0x80, $0x38;
	[tilespmem:$0x18100] =	vst v63  }
0x1d: {  	_ =	swait.ge [sflag:s12], $0x80  }
0x1e: {  	[sflag:s12] =	ssyncset.done $0x0  }
0x1f: {  	[sflag:s12] =	ssyncadd.s32 $0xFFFFFF80  }
0x20: {  	[spmem:s3] =	stream.indirect.scatter.add.f32 [tilespmem:s14], [sflag:$0x2], $0x80, s13, s13, $0xb8;
	[tilespmem:$0x18100] =	vst v63  }
0x21: {  	_ =	swait.ge [sflag:s12], $0x4000  }
0x22: {  	s18 =	simm.s32 $0x20;
	s17 =	simm.s32 $0x10;
	[sflag:s12] =	ssyncset.done $0x0  }
.LBB2_2:
0x23: {  	s19 =	sadd.s32 s17, s10  }
0x24: {  	[sflag:s12] =	ssyncadd.s32 $0xFFFFC000;
	s20 =	smov.u32 s18;
	s21 =	sadd.s32 $0x10, s18  }
0x25: {  	[tilespmem:s4], [sflag:$0x2] =	stream.linear.gather [hbm4b:s19+s4], $0x80, $0x38;
	[tilespmem:$0x18100] =	vst v63  }
0x26: {  	p0 =	sne.s32 s18, $0x4F0;
	_ =	swait.ge [sflag:s12], $0x80  }
0x27: {  	[sflag:s12] =	ssyncset.done $0x0  }
0x28: {  	[sflag:s12] =	ssyncadd.s32 $0xFFFFFF80  }
0x29: {  	[tilespmem:s14], [sflag:$0x1] =	stream.indirect.gather [hbm4b:s2+s13], $0x80, s4, s13, $0xb8;
	[tilespmem:$0x18100] =	vst v63  }
0x2a: {  	_ =	swait.ge [sflag:s15], $0x4000  }
0x2b: {  	[sflag:s15] =	ssyncset.done $0x0  }
0x2c: {  	s18 =	sadd.s32 s17, s9;
	s17 =	smov.u32 s20;
	[sflag:s15] =	ssyncadd.s32 $0xFFFFC000  }
0x2d: {  	[tilespmem:s13], [sflag:$0x2] =	stream.linear.gather [hbm4b:s18+s4], $0x80, $0x38;
	[tilespmem:$0x18100] =	vst v63  }
0x2e: {  	_ =	swait.ge [sflag:s12], $0x80  }
.Ltmp0:
0x2f: {  	[sflag:s12] =	ssyncset.done $0x0;
	(pc) =	sbr.rel @p0 .LBB2_2-.Ltmp0, $4  }
0x30: {  	[sflag:s12] =	ssyncadd.s32 $0xFFFFFF80  }
0x31: {  	[spmem:s3] =	stream.indirect.scatter.add.f32 [tilespmem:s14], [sflag:$0x2], $0x80, s13, s13, $0xb8;
	[tilespmem:$0x18100] =	vst v63  }
0x32: {  	_ =	swait.ge [sflag:s12], $0x4000  }
0x33: {  	s18 =	smov.u32 s21;
	[sflag:s12] =	ssyncset.done $0x0  }
0x34: {  	s18 =	sadd.s32 s17, s10;
	[sflag:s12] =	ssyncadd.s32 $0xFFFFC000  }
0x35: {  	[tilespmem:s4], [sflag:$0x2] =	stream.linear.gather [hbm4b:s18+s4], $0x80, $0x38;
	[tilespmem:$0x18100] =	vst v63  }
0x36: {  	_ =	swait.ge [sflag:s12], $0x80  }
0x37: {  	[sflag:s12] =	ssyncset.done $0x0  }
0x38: {  	[sflag:s12] =	ssyncadd.s32 $0xFFFFFF80  }
0x39: {  	[tilespmem:s14], [sflag:$0x1] =	stream.indirect.gather [hbm4b:s2+s13], $0x80, s4, s13, $0xb8;
	[tilespmem:$0x18100] =	vst v63  }
0x3a: {  	_ =	swait.ge [sflag:s15], $0x4000  }
0x3b: {  	[sflag:s15] =	ssyncset.done $0x0  }
0x3c: {  	s31 =	sadd.s32 s17, s9;
	[sflag:s15] =	ssyncadd.s32 $0xFFFFC000  }
0x3d: {  	[tilespmem:s13], [sflag:$0x2] =	stream.linear.gather [hbm4b:s31+s4], $0x80, $0x38;
	[tilespmem:$0x18100] =	vst v63  }
0x3e: {  	_ =	swait.ge [sflag:s12], $0x80  }
0x3f: {  	[sflag:s12] =	ssyncset.done $0x0  }
0x40: {  	[sflag:s12] =	ssyncadd.s32 $0xFFFFFF80  }
0x41: {  	[spmem:s3] =	stream.indirect.scatter.add.f32 [tilespmem:s14], [sflag:$0x2], $0x80, s13, s13, $0xb8;
	[tilespmem:$0x18100] =	vst v63  }
0x42: {  	_ =	swait.ge [sflag:s12], $0x4000  }
0x43: {  	s16 =	sadd.s32 $0x1, s16;
	[sflag:s12] =	ssyncset.done $0x0  }
0x44: {  	p0 =	sne.s32 s16, s8;
	[sflag:s12] =	ssyncadd.s32 $0xFFFFC000  }
.Ltmp1:
0x45: {  	[bflag:$0x0] =	sbarrier.arrive $0xFFFF;
	(pc) =	sbr.rel @p0 .LBB2_1-.Ltmp1, $4  }
0x46: {  	[hbm:s7], [sflag:s6] =	dma.local [spmem:s11], $0x2800  }
0x47: {  	_ =	swait.ge [sflag:s12], $0x2800  }
0x48: {  	[sflag:s12] =	ssyncset.done $0x0  }
0x49: {  	[sflag:s12] =	ssyncadd.s32 $0xFFFFD800  }
0x4a: {  	_ =	sfence.sel $0x180000  }
0x4b: {  	[bflag:$0x0] =	sbarrier.arrive $0xFFFF  }
0x4c: {  	p0 =	sne.s32 s1, $0x0;
	_ =	strace $0x9000004A  }
0x4d: {  	s0 =	sadd.s32 @!p0 $0x100000, s0;
	[bflag:$0x2] =	sbarrier.arrive $0xFFFF  }
0x4e: {  	[sflag:s0] =	ssyncadd.tile.s32 @!p0 $0x1;
	_ =	shalt  }
.Lfunc_end2:
_tile_overlayer_lowered:
.L_overlay_start_2:
0x4f: {  	(tag) =	ssettag $0x2  }
0x50: {  	s0 =	rddreg [dreg:$0x0];
	s2 =	stileid.u32  }
0x51: {  	s1 =	rddreg [dreg:$0x1];
	p0 =	sne.s32 s2, $0x0  }
0x52: {  	s3 =	rddreg [dreg:$0x2];
	[bflag:$0x3] =	sbarrier.arrive $0xFFFF;
	s2 =	simm.s32 @!p0 $0x1C02  }
0x53: {  	[timem:s3], [sflag:s2] =	dma.local @!p0 [hbm:s0], s1  }
0x54: {  	s0 =	simm.s32 @!p0 $0x2  }
0x55: {  	_ =	swait.ge @!p0 [sflag:s0], s1  }
0x56: {  	s1 =	ssub.s32 @!p0 $0x0, s1;
	[sflag:s0] =	ssyncset.done @!p0 $0x0  }
0x57: {  	[sflag:s0] =	ssyncadd.s32 @!p0 s1  }
0x58: {  	[bflag:$0x3] =	sbarrier.arrive $0xFFFF  }
0x59: {  	_ =	shalt  }

// kernel: kernel.16.cloned.1.call-start
scs
__scs_entry_jumppad:
0x0: {  	(pc) =	sbr.rel $0x88, $3  }
0x1: {  	(tag) =	ssettag $0x0;
	lr =	simm.s32 $0x1  }
0x2: {  	[smem:$0x3F98] =	sst lr;
	_ =	strace $0xD0000000  }
0x3: {  	_ = 	snop  }
0x4: {  	_ = 	snop  }
0x5: {  	_ = 	snop  }
0x6: {  	_ = 	snop  }
0x7: {  	_ = 	snop  }
__scs_overlays_trampoline_lowered:
0x8: {  	[smem:$0x3FA7] =	sst s0  }
0x9: {  	[smem:$0x3FA8] =	sst s1  }
0xa: {  	[smem:$0x3FA9] =	sst s2  }
0xb: {  	[smem:$0x3FAA] =	sst s3  }
0xc: {  	[smem:$0x3FAB] =	sst s4  }
0xd: {  	[smem:$0x3FAC] =	sst s5  }
0xe: {  	[smem:$0x3FAD] =	sst s6  }
0xf: {  	[smem:$0x3FAE] =	sst s7  }
0x10: {  	[smem:$0x3FAF] =	sst s8  }
0x11: {  	[smem:$0x3FB0] =	sst s9;
	s0 =	simm.s32 @!p0 $0x0  }
0x12: {  	s1 =	sld [smem:$0x3F96];
	s0 =	simm.s32 @p0 $0x1  }
0x13: {  	[smem:$0x3FB1] =	sst s0;
	s0 =	simm.s32 @!p1 $0x0  }
0x14: {  	s2 =	sld [smem:$0x3F95];
	s0 =	simm.s32 @p1 $0x1  }
0x15: {  	[smem:$0x3FB2] =	sst s0;
	s0 =	simm.s32 @!p2 $0x0  }
0x16: {  	s3 =	sld [smem:$0x3FDB];
	s0 =	simm.s32 @p2 $0x1  }
0x17: {  	s4 =	simm.s32 $0x1BF5;
	[smem:$0x3FB4] =	sst s0  }
0x18: {  	s0 =	sld [smem:$0x3F97];
	_ =	swait.ge [sflag:s4], $0x0  }
0x19: {  	s7 =	sld [smem:$0x3F98]  }
0x1a: {  	s8 =	sadd.s32 $0xFFFFE003, lr  }
0x1b: {  	s9 =	sadd.s32 $0xFFFFFEF7, lr;
	s5 =	simm.s32 $0xFFFFFFFF;
	p2 =	slt.u32 s8, $0xFFFFF086  }
0x1c: {  	p1 =	slt.u32 s9, $0xF7A;
	s5 =	simm.s32 @!p2 $0x0  }
0x1d: {  	s5 =	simm.s32 @p1 $0x1;
	p0 =	seq.s32 s7, s2  }
0x1e: {  	s7 =	smul.u32 @!p0 $0xF7A, s2;
	p2 =	seq.s32 @!p0 s5, $0x0  }
0x1f: {  	s9 =	smul.u32 $0xF7A, s1;
	s8 =	simm.s32 @!p0 $0x1BF5;
	p2 =	por !p2, p0  }
0x20: {  	[sflag:s8] =	ssyncset.s32 @!p0 $0xFFFFF086;
	s6 =	sadd.s32 @!p0 s3, s7;
	s7 =	simm.s32 @!p0 $0x108  }
0x21: {  	s3 =	sadd.s32 s3, s9;
	s6 =	sadd.s32 @!p0 $0x88, s6;
	s7 =	simm.s32 @p2 $0x1082  }
0x22: {  	[simem:s7], [sflag:s8] =	dma.local @!p0 [hbm:s6], $0xF7A  }
0x23: {  	s9 =	sor.u32 $0xD0000000, s2;
	s6 =	simm.s32 $0x108;
	_ =	swait.ge @!p0 [sflag:s8], $0x0  }
0x24: {  	s3 =	sadd.s32 $0x88, s3;
	s6 =	simm.s32 @!p1 $0x1082;
	[sflag:s4] =	ssyncset.s32 $0xFFFFF086  }
0x25: {  	[simem:s6], [sflag:s4] =	dma.local [hbm:s3], $0xF7A  }
0x26: {  	[smem:$0x3F98] =	sst s1;
	(tag) =	ssettag s2;
	_ =	strace s9  }
0x27: {  	s1 =	sld [smem:$0x3FA8]  }
0x28: {  	s2 =	sld [smem:$0x3FA9]  }
0x29: {  	s4 =	sld [smem:$0x3FAB]  }
0x2a: {  	p0 =	seq.s32 s5, $0x0;
	s5 =	sld [smem:$0x3FAC]  }
0x2b: {  	s6 =	sld [smem:$0x3FAD]  }
0x2c: {  	s7 =	sld [smem:$0x3FAE]  }
0x2d: {  	s3 =	simm.s32 $0x108;
	s8 =	sld [smem:$0x3FAF]  }
0x2e: {  	s3 =	simm.s32 @!p0 $0x1082;
	s9 =	sld [smem:$0x3FB0]  }
0x2f: {  	lr =	sadd.s32 s0, s3;
	s0 =	sld [smem:$0x3FA7]  }
0x30: {  	s3 =	sld [smem:$0x3FAA]  }
0x31: {  	[smem:$0x3FB3] =	sst s10  }
0x32: {  	s10 =	sld [smem:$0x3FB1];
	_ =	sdelay $0x3  }
0x33: {  	p0 =	seq.s32 s10, $0x1;
	s10 =	sld [smem:$0x3FB3];
	_ =	sdelay $0x3  }
0x34: {  	[smem:$0x3FB3] =	sst s10  }
0x35: {  	s10 =	sld [smem:$0x3FB2];
	_ =	sdelay $0x3  }
0x36: {  	p1 =	seq.s32 s10, $0x1;
	s10 =	sld [smem:$0x3FB3];
	_ =	sdelay $0x3  }
0x37: {  	[smem:$0x3FB3] =	sst s10  }
0x38: {  	s10 =	sld [smem:$0x3FB4]  }
0x39: {  	_ = 	snop;
	(pc) =	sbr.ind lr, $3  }
0x3a: {  	_ = 	snop  }
0x3b: {  	_ = 	snop  }
0x3c: {  	p2 =	seq.s32 s10, $0x1;
	s10 =	sld [smem:$0x3FB3]  }
0x3d: {  	_ =	shalt  }
0x3e: {  	_ =	shalt  }
0x3f: {  	_ =	shalt  }
0x40: {  	_ =	shalt  }
0x41: {  	_ =	shalt  }
0x42: {  	_ =	shalt  }
0x43: {  	_ =	shalt  }
0x44: {  	_ =	shalt  }
0x45: {  	_ =	shalt  }
0x46: {  	_ =	shalt  }
0x47: {  	_ =	shalt  }
0x48: {  	_ =	shalt  }
0x49: {  	_ =	shalt  }
0x4a: {  	_ =	shalt  }
0x4b: {  	_ =	shalt  }
0x4c: {  	_ =	shalt  }
0x4d: {  	_ =	shalt  }
0x4e: {  	_ =	shalt  }
0x4f: {  	_ =	shalt  }
0x50: {  	_ =	shalt  }
0x51: {  	_ =	shalt  }
0x52: {  	_ =	shalt  }
0x53: {  	_ =	shalt  }
0x54: {  	_ =	shalt  }
0x55: {  	_ =	shalt  }
0x56: {  	_ =	shalt  }
0x57: {  	_ =	shalt  }
0x58: {  	_ =	shalt  }
0x59: {  	_ =	shalt  }
0x5a: {  	_ =	shalt  }
0x5b: {  	_ =	shalt  }
0x5c: {  	_ =	shalt  }
0x5d: {  	_ =	shalt  }
0x5e: {  	_ =	shalt  }
0x5f: {  	_ =	shalt  }
0x60: {  	_ =	shalt  }
0x61: {  	_ =	shalt  }
0x62: {  	_ =	shalt  }
0x63: {  	_ =	shalt  }
0x64: {  	_ =	shalt  }
0x65: {  	_ =	shalt  }
0x66: {  	_ =	shalt  }
0x67: {  	_ =	shalt  }
0x68: {  	_ =	shalt  }
0x69: {  	_ =	shalt  }
0x6a: {  	_ =	shalt  }
0x6b: {  	_ =	shalt  }
0x6c: {  	_ =	shalt  }
0x6d: {  	_ =	shalt  }
0x6e: {  	_ =	shalt  }
0x6f: {  	_ =	shalt  }
0x70: {  	_ =	shalt  }
0x71: {  	_ =	shalt  }
0x72: {  	_ =	shalt  }
0x73: {  	_ =	shalt  }
0x74: {  	_ =	shalt  }
0x75: {  	_ =	shalt  }
0x76: {  	_ =	shalt  }
0x77: {  	_ =	shalt  }
0x78: {  	_ =	shalt  }
0x79: {  	_ =	shalt  }
0x7a: {  	_ =	shalt  }
0x7b: {  	_ =	shalt  }
0x7c: {  	_ =	shalt  }
0x7d: {  	_ =	shalt  }
0x7e: {  	_ =	shalt  }
0x7f: {  	_ =	shalt  }
0x80: {  	_ =	shalt  }
0x81: {  	_ =	shalt  }
0x82: {  	_ =	shalt  }
0x83: {  	_ =	shalt  }
0x84: {  	_ =	shalt  }
0x85: {  	_ =	shalt  }
0x86: {  	_ =	shalt  }
0x87: {  	_ =	shalt  }
.Lfunc_end0:
.L_simem_size_0:
called_computation.2_lowered:
.L_overlay_start_0:
0x88: {  	s2 =	sld [smem:$0x3FD9]  }
0x89: {  	s3 =	sld [smem:$0x3FFE];
	_ =	sdelay $0x1  }
0x8a: {  	s1 =	srdreg.scid  }
0x8b: {  	s0 =	sand.u32 $0x1, s1  }
0x8c: {  	s17 =	sshll.u32 s0, $0xA;
	s2 =	sadd.s32 s3, s2  }
0x8d: {  	s2 =	sadd.s32 s2, s17  }
0x8e: {  	[smem:$0x3FBF] =	sst s2  }
0x8f: {  	_ = 	snop  }
0x90: {  	s2 =	sld [smem:$0x3FD0];
	(tm) =	ssettm $0x1  }
0x91: {  	s18 =	sld [smem:$0x3FFB];
	_ =	sdelay $0x3  }
0x92: {  	_ =	strace s18  }
0x93: {  	s3 =	sld [smem:$0x3FFC];
	_ =	sdelay $0x3  }
0x94: {  	_ =	strace s3  }
0x95: {  	s3 =	sld [smem:$0x3FFD];
	_ =	sdelay $0x3  }
0x96: {  	_ =	strace s3  }
0x97: {  	_ =	strace $0x8FFFFFFF  }
0x98: {  	s19 =	sld [smem:$0x3FDB];
	_ =	sdelay $0x1  }
0x99: {  	s4 =	simm.s32 $_scs_section_size  }
0x9a: {  	s5 =	simm.s32 $_size__tile_overlayer_lowered;
	s6 =	simm.s32 $_tile_overlayer_lowered  }
0x9b: {  	s22 =	simm.s32 $0x1BFF;
	s21 =	sshll.u32 s6, $0x1;
	s3 =	sadd.s32 s4, s19  }
0x9c: {  	s7 =	simm.s32 $0x0;
	s20 =	sshll.u32 s5, $0x1;
	s5 =	sadd.s32 s21, s3  }
0x9d: {  	[timem:s7], [sflag:s22] =	dma.local [hbm:s5], s20  }
0x9e: {  	_ =	swait.ge [sflag:s22], s20  }
0x9f: {  	s4 =	ssub.s32 $0x0, s20;
	[sflag:s22] =	ssyncset.done $0x0  }
0xa0: {  	[sflag:s22] =	ssyncadd.s32 s4;
	_ =	sdelay $0x1  }
0xa1: {  	s23 =	simm.s32 $0x1B8B  }
0xa2: {  	_ =	swait.ge [sflag:s23], $0x1  }
0xa3: {  	[sflag:s23] =	ssyncset.done $0x0  }
0xa4: {  	s25 =	simm.s32 $0x1B8E;
	s24 =	sld [smem:$0x3FFE];
	[sflag:s23] =	ssyncadd.s32 $0xFFFFFFFF  }
0xa5: {  	s26 =	simm.s32 $execute0_lowered;
	[smem:$0x3FD2] =	sst s25  }
0xa6: {  	s5 =	sshll.u32 s26, $0x1;
	_ =	strace $0x8000004C;
	[dreg:$0x1] =	wrdreg $0xFFFFFFFF  }
0xa7: {  	s28 =	simm.s32 $_size_execute0_lowered;
	s3 =	sadd.s32 s3, s5;
	[dreg:$0x0] =	wrdreg $0x0  }
0xa8: {  	s5 =	sshll.u32 s28, $0x1;
	[dreg:$0x2] =	wrdreg s3  }
0xa9: {  	[dreg:$0x3] =	wrdreg s5  }
0xaa: {  	[dreg:$0x4] =	wrdreg $0xC0  }
0xab: {  	_ =	task [dreg:s7], $0x5FFFF  }
0xac: {  	[dreg:$0x1] =	wrdreg $0xFFFFFFFF  }
0xad: {  	[dreg:$0x0] =	wrdreg $0x60  }
0xae: {  	[dreg:$0x2] =	wrdreg s24  }
0xaf: {  	[dreg:$0x3] =	wrdreg s2  }
0xb0: {  	[dreg:$0x4] =	wrdreg $0x41000  }
0xb1: {  	[dreg:$0x5] =	wrdreg $0x9  }
0xb2: {  	_ =	task.clear_ibuf [dreg:s7], $0x6FFFF;
	_ =	strace $0x9000004C  }
0xb3: {  	s29 =	simm.s32 $0x9;
	_ =	strace $0x8000004E  }
0xb4: {  	_ =	swait.ge [sflag:s29], $0x1  }
0xb5: {  	[sflag:s29] =	ssyncadd.s32 $0xFFFFFFFF  }
0xb6: {  	_ =	strace $0x9000004E  }
0xb7: {  	_ =	sfence  }
0xb8: {  	s30 =	sld [smem:$0x0];
	_ =	sdelay $0x2  }
0xb9: {  	s31 =	sshll.u32 s1, $0xD;
	s1 =	sshrl.u32 s1, $0x2  }
0xba: {  	s3 =	sand.u32 $0x4000, s31;
	s1 =	sadd.s32 s1, s30  }
0xbb: {  	s0 =	sor.u32 s3, s0;
	s1 =	sshll.u32 s1, $0x11  }
0xbc: {  	s0 =	sor.u32 s1, s0  }
0xbd: {  	s0 =	sadd.s32 $0x8F2B, s0  }
0xbe: {  	[sflag:s0] =	ssyncadd.remote.s32 $0x1  }
0xbf: {  	_ =	sfence.sel $0xFFFF  }
0xc0: {  	[dreg:$0x0] =	wrdreg $0xFFFFFFFF;
	(pc) =	sbr.abs _section_cstart, $3  }
0xc1: {  	[dreg:$0x1] =	wrdreg $0xFFFFFFFF  }
0xc2: {  	_ =	task.clear_ibuf [dreg:s7], $0x2FFFF;
	_ =	strace $0x9FFFFFFF  }
0xc3: {  	(tm) =	ssettm $0x7FFFFFFF  }
tec
execute0_lowered:
.L_overlay_start_1:
0x0: {  	(tag) =	ssettag $0x1  }
0x1: {  	s6 =	rddreg [dreg:$0x0]  }
0x2: {  	s2 =	rddreg [dreg:$0x1];
	s0 =	srdreg.scid  }
0x3: {  	s3 =	rddreg [dreg:$0x2];
	s1 =	stileid.u32  }
0x4: {  	s4 =	simm.s32 $0x0;
	s14 =	simm.s32 $0x100;
	s8 =	smul.u32 $0x14000, s1  }
0x5: {  	s15 =	simm.s32 $0x1;
	s16 =	simm.s32 $0x0;
	s10 =	smul.u32 $0x50000, s1  }
0x6: {  	s7 =	sand.u32 $0x1, s0;
	s0 =	rddreg [dreg:$0x3];
	s11 =	smul.u32 $0x500, s1  }
0x7: {  	[smem:$0x7FF] =	sst s4;
	s30 =	sshll.u32 s1, $0x6;
	s5 =	smul.u32 $0x140000, s7  }
0x8: {  	s9 =	smul.u32 $0x5000, s7;
	_ =	strace $0x8000004D;
	s29 =	ssub.s32 $0x2, s7  }
0x9: {  	s7 =	sshrl.u32 s29, $0x1;
	s10 =	sshrl.u32 s10, $0x2;
	s5 =	sadd.s32 s8, s5  }
0xa: {  	s26 =	sadd.s32 s9, s6;
	s12 =	ssub.s32 s29, s7;
	s13 =	sadd.s32 s10, s3  }
0xb: {  	s28 =	sshrl.u32 s5, $0x3;
	s5 =	sadd.s32 $0xCC00, s6;
	s31 =	sadd.s32 s11, s26  }
0xc: {  	s8 =	smax.u32 s12, $0x1;
	s11 =	sshrl.u32 s13, $0x3;
	s12 =	simm.s32 $0x2  }
0xd: {  	s13 =	simm.s32 $0x80;
	s9 =	sadd.s32 s28, s6;
	s6 =	sor.u32 $0x1C02, s30  }
0xe: {  	s10 =	sadd.s32 $0x5F400, s31;
	s7 =	sadd.s32 $0xF400, s9;
	s9 =	sadd.s32 $0x2C00, s31  }
.LBB2_1:
0xf: {  	[spmem:s11], [sflag:s6] =	dma.local [hbm:s5], $0x2800  }
0x10: {  	_ =	swait.ge [sflag:s12], $0x2800  }
0x11: {  	[sflag:s12] =	ssyncset.done $0x0  }
0x12: {  	[sflag:s12] =	ssyncadd.s32 $0xFFFFD800  }
0x13: {  	s17 =	sadd.s32 $0x0, s10;
	[bflag:$0x0] =	sbarrier.arrive $0xFFFF  }
0x14: {  	[tilespmem:s4], [sflag:$0x2] =	stream.linear.gather [hbm4b:s17+s4], $0x80, $0x38;
	[tilespmem:$0x18100] =	vst v63  }
0x15: {  	_ =	swait.ge [sflag:s12], $0x80  }
0x16: {  	[sflag:s12] =	ssyncset.done $0x0  }
0x17: {  	[sflag:s12] =	ssyncadd.s32 $0xFFFFFF80  }
0x18: {  	[tilespmem:s14], [sflag:$0x1] =	stream.indirect.gather [hbm4b:s2+s13], $0x80, s4, s13, $0xb8;
	[tilespmem:$0x18100] =	vst v63  }
0x19: {  	_ =	swait.ge [sflag:s15], $0x4000  }
0x1a: {  	[sflag:s15] =	ssyncset.done $0x0  }
0x1b: {  	s31 =	sadd.s32 $0x0, s9;
	[sflag:s15] =	ssyncadd.s32 $0xFFFFC000  }
0x1c: {  	[tilespmem:s13], [sflag:$0x2] =	stream.linear.gather [hbm4b:s31+s4], $0x80, $0x38;
	[tilespmem:$0x18100] =	vst v63  }
0x1d: {  	_ =	swait.ge [sflag:s12], $0x80  }
0x1e: {  	[sflag:s12] =	ssyncset.done $0x0  }
0x1f: {  	[sflag:s12] =	ssyncadd.s32 $0xFFFFFF80  }
0x20: {  	[spmem:s3] =	stream.indirect.scatter.add.f32 [tilespmem:s14], [sflag:$0x2], $0x80, s13, s13, $0xb8;
	[tilespmem:$0x18100] =	vst v63  }
0x21: {  	_ =	swait.ge [sflag:s12], $0x4000  }
0x22: {  	s18 =	simm.s32 $0x20;
	s17 =	simm.s32 $0x10;
	[sflag:s12] =	ssyncset.done $0x0  }
.LBB2_2:
0x23: {  	s19 =	sadd.s32 s17, s10  }
0x24: {  	[sflag:s12] =	ssyncadd.s32 $0xFFFFC000;
	s20 =	smov.u32 s18;
	s21 =	sadd.s32 $0x10, s18  }
0x25: {  	[tilespmem:s4], [sflag:$0x2] =	stream.linear.gather [hbm4b:s19+s4], $0x80, $0x38;
	[tilespmem:$0x18100] =	vst v63  }
0x26: {  	p0 =	sne.s32 s18, $0x4F0;
	_ =	swait.ge [sflag:s12], $0x80  }
0x27: {  	[sflag:s12] =	ssyncset.done $0x0  }
0x28: {  	[sflag:s12] =	ssyncadd.s32 $0xFFFFFF80  }
0x29: {  	[tilespmem:s14], [sflag:$0x1] =	stream.indirect.gather [hbm4b:s2+s13], $0x80, s4, s13, $0xb8;
	[tilespmem:$0x18100] =	vst v63  }
0x2a: {  	_ =	swait.ge [sflag:s15], $0x4000  }
0x2b: {  	[sflag:s15] =	ssyncset.done $0x0  }
0x2c: {  	s18 =	sadd.s32 s17, s9;
	s17 =	smov.u32 s20;
	[sflag:s15] =	ssyncadd.s32 $0xFFFFC000  }
0x2d: {  	[tilespmem:s13], [sflag:$0x2] =	stream.linear.gather [hbm4b:s18+s4], $0x80, $0x38;
	[tilespmem:$0x18100] =	vst v63  }
0x2e: {  	_ =	swait.ge [sflag:s12], $0x80  }
.Ltmp0:
0x2f: {  	[sflag:s12] =	ssyncset.done $0x0;
	(pc) =	sbr.rel @p0 .LBB2_2-.Ltmp0, $4  }
0x30: {  	[sflag:s12] =	ssyncadd.s32 $0xFFFFFF80  }
0x31: {  	[spmem:s3] =	stream.indirect.scatter.add.f32 [tilespmem:s14], [sflag:$0x2], $0x80, s13, s13, $0xb8;
	[tilespmem:$0x18100] =	vst v63  }
0x32: {  	_ =	swait.ge [sflag:s12], $0x4000  }
0x33: {  	s18 =	smov.u32 s21;
	[sflag:s12] =	ssyncset.done $0x0  }
0x34: {  	s18 =	sadd.s32 s17, s10;
	[sflag:s12] =	ssyncadd.s32 $0xFFFFC000  }
0x35: {  	[tilespmem:s4], [sflag:$0x2] =	stream.linear.gather [hbm4b:s18+s4], $0x80, $0x38;
	[tilespmem:$0x18100] =	vst v63  }
0x36: {  	_ =	swait.ge [sflag:s12], $0x80  }
0x37: {  	[sflag:s12] =	ssyncset.done $0x0  }
0x38: {  	[sflag:s12] =	ssyncadd.s32 $0xFFFFFF80  }
0x39: {  	[tilespmem:s14], [sflag:$0x1] =	stream.indirect.gather [hbm4b:s2+s13], $0x80, s4, s13, $0xb8;
	[tilespmem:$0x18100] =	vst v63  }
0x3a: {  	_ =	swait.ge [sflag:s15], $0x4000  }
0x3b: {  	[sflag:s15] =	ssyncset.done $0x0  }
0x3c: {  	s31 =	sadd.s32 s17, s9;
	[sflag:s15] =	ssyncadd.s32 $0xFFFFC000  }
0x3d: {  	[tilespmem:s13], [sflag:$0x2] =	stream.linear.gather [hbm4b:s31+s4], $0x80, $0x38;
	[tilespmem:$0x18100] =	vst v63  }
0x3e: {  	_ =	swait.ge [sflag:s12], $0x80  }
0x3f: {  	[sflag:s12] =	ssyncset.done $0x0  }
0x40: {  	[sflag:s12] =	ssyncadd.s32 $0xFFFFFF80  }
0x41: {  	[spmem:s3] =	stream.indirect.scatter.add.f32 [tilespmem:s14], [sflag:$0x2], $0x80, s13, s13, $0xb8;
	[tilespmem:$0x18100] =	vst v63  }
0x42: {  	_ =	swait.ge [sflag:s12], $0x4000  }
0x43: {  	s16 =	sadd.s32 $0x1, s16;
	[sflag:s12] =	ssyncset.done $0x0  }
0x44: {  	p0 =	sne.s32 s16, s8;
	[sflag:s12] =	ssyncadd.s32 $0xFFFFC000  }
.Ltmp1:
0x45: {  	[bflag:$0x0] =	sbarrier.arrive $0xFFFF;
	(pc) =	sbr.rel @p0 .LBB2_1-.Ltmp1, $4  }
0x46: {  	[hbm:s7], [sflag:s6] =	dma.local [spmem:s11], $0x2800  }
0x47: {  	_ =	swait.ge [sflag:s12], $0x2800  }
0x48: {  	[sflag:s12] =	ssyncset.done $0x0  }
0x49: {  	[sflag:s12] =	ssyncadd.s32 $0xFFFFD800  }
0x4a: {  	_ =	sfence.sel $0x180000  }
0x4b: {  	[bflag:$0x0] =	sbarrier.arrive $0xFFFF  }
0x4c: {  	p0 =	sne.s32 s1, $0x0;
	_ =	strace $0x9000004D  }
0x4d: {  	s0 =	sadd.s32 @!p0 $0x100000, s0;
	[bflag:$0x2] =	sbarrier.arrive $0xFFFF  }
0x4e: {  	[sflag:s0] =	ssyncadd.tile.s32 @!p0 $0x1;
	_ =	shalt  }
.Lfunc_end2:
_tile_overlayer_lowered:
.L_overlay_start_2:
0x4f: {  	(tag) =	ssettag $0x2  }
0x50: {  	s0 =	rddreg [dreg:$0x0];
	s2 =	stileid.u32  }
0x51: {  	s1 =	rddreg [dreg:$0x1];
	p0 =	sne.s32 s2, $0x0  }
0x52: {  	s3 =	rddreg [dreg:$0x2];
	[bflag:$0x3] =	sbarrier.arrive $0xFFFF;
	s2 =	simm.s32 @!p0 $0x1C02  }
0x53: {  	[timem:s3], [sflag:s2] =	dma.local @!p0 [hbm:s0], s1  }
0x54: {  	s0 =	simm.s32 @!p0 $0x2  }
0x55: {  	_ =	swait.ge @!p0 [sflag:s0], s1  }
0x56: {  	s1 =	ssub.s32 @!p0 $0x0, s1;
	[sflag:s0] =	ssyncset.done @!p0 $0x0  }
0x57: {  	[sflag:s0] =	ssyncadd.s32 @!p0 s1  }
0x58: {  	[bflag:$0x3] =	sbarrier.arrive $0xFFFF  }
0x59: {  	_ =	shalt  }

// kernel: kernel.19.cloned.1.call-start
scs
__scs_entry_jumppad:
0x0: {  	(pc) =	sbr.rel $0x88, $3  }
0x1: {  	(tag) =	ssettag $0x0;
	lr =	simm.s32 $0x1  }
0x2: {  	[smem:$0x3F98] =	sst lr;
	_ =	strace $0xD0000000  }
0x3: {  	_ = 	snop  }
0x4: {  	_ = 	snop  }
0x5: {  	_ = 	snop  }
0x6: {  	_ = 	snop  }
0x7: {  	_ = 	snop  }
__scs_overlays_trampoline_lowered:
0x8: {  	[smem:$0x3FA7] =	sst s0  }
0x9: {  	[smem:$0x3FA8] =	sst s1  }
0xa: {  	[smem:$0x3FA9] =	sst s2  }
0xb: {  	[smem:$0x3FAA] =	sst s3  }
0xc: {  	[smem:$0x3FAB] =	sst s4  }
0xd: {  	[smem:$0x3FAC] =	sst s5  }
0xe: {  	[smem:$0x3FAD] =	sst s6  }
0xf: {  	[smem:$0x3FAE] =	sst s7  }
0x10: {  	[smem:$0x3FAF] =	sst s8  }
0x11: {  	[smem:$0x3FB0] =	sst s9;
	s0 =	simm.s32 @!p0 $0x0  }
0x12: {  	s1 =	sld [smem:$0x3F96];
	s0 =	simm.s32 @p0 $0x1  }
0x13: {  	[smem:$0x3FB1] =	sst s0;
	s0 =	simm.s32 @!p1 $0x0  }
0x14: {  	s2 =	sld [smem:$0x3F95];
	s0 =	simm.s32 @p1 $0x1  }
0x15: {  	[smem:$0x3FB2] =	sst s0;
	s0 =	simm.s32 @!p2 $0x0  }
0x16: {  	s3 =	sld [smem:$0x3FDB];
	s0 =	simm.s32 @p2 $0x1  }
0x17: {  	s4 =	simm.s32 $0x1BF5;
	[smem:$0x3FB4] =	sst s0  }
0x18: {  	s0 =	sld [smem:$0x3F97];
	_ =	swait.ge [sflag:s4], $0x0  }
0x19: {  	s7 =	sld [smem:$0x3F98]  }
0x1a: {  	s8 =	sadd.s32 $0xFFFFE003, lr  }
0x1b: {  	s9 =	sadd.s32 $0xFFFFFEF7, lr;
	s5 =	simm.s32 $0xFFFFFFFF;
	p2 =	slt.u32 s8, $0xFFFFF086  }
0x1c: {  	p1 =	slt.u32 s9, $0xF7A;
	s5 =	simm.s32 @!p2 $0x0  }
0x1d: {  	s5 =	simm.s32 @p1 $0x1;
	p0 =	seq.s32 s7, s2  }
0x1e: {  	s7 =	smul.u32 @!p0 $0xF7A, s2;
	p2 =	seq.s32 @!p0 s5, $0x0  }
0x1f: {  	s9 =	smul.u32 $0xF7A, s1;
	s8 =	simm.s32 @!p0 $0x1BF5;
	p2 =	por !p2, p0  }
0x20: {  	[sflag:s8] =	ssyncset.s32 @!p0 $0xFFFFF086;
	s6 =	sadd.s32 @!p0 s3, s7;
	s7 =	simm.s32 @!p0 $0x108  }
0x21: {  	s3 =	sadd.s32 s3, s9;
	s6 =	sadd.s32 @!p0 $0x88, s6;
	s7 =	simm.s32 @p2 $0x1082  }
0x22: {  	[simem:s7], [sflag:s8] =	dma.local @!p0 [hbm:s6], $0xF7A  }
0x23: {  	s9 =	sor.u32 $0xD0000000, s2;
	s6 =	simm.s32 $0x108;
	_ =	swait.ge @!p0 [sflag:s8], $0x0  }
0x24: {  	s3 =	sadd.s32 $0x88, s3;
	s6 =	simm.s32 @!p1 $0x1082;
	[sflag:s4] =	ssyncset.s32 $0xFFFFF086  }
0x25: {  	[simem:s6], [sflag:s4] =	dma.local [hbm:s3], $0xF7A  }
0x26: {  	[smem:$0x3F98] =	sst s1;
	(tag) =	ssettag s2;
	_ =	strace s9  }
0x27: {  	s1 =	sld [smem:$0x3FA8]  }
0x28: {  	s2 =	sld [smem:$0x3FA9]  }
0x29: {  	s4 =	sld [smem:$0x3FAB]  }
0x2a: {  	p0 =	seq.s32 s5, $0x0;
	s5 =	sld [smem:$0x3FAC]  }
0x2b: {  	s6 =	sld [smem:$0x3FAD]  }
0x2c: {  	s7 =	sld [smem:$0x3FAE]  }
0x2d: {  	s3 =	simm.s32 $0x108;
	s8 =	sld [smem:$0x3FAF]  }
0x2e: {  	s3 =	simm.s32 @!p0 $0x1082;
	s9 =	sld [smem:$0x3FB0]  }
0x2f: {  	lr =	sadd.s32 s0, s3;
	s0 =	sld [smem:$0x3FA7]  }
0x30: {  	s3 =	sld [smem:$0x3FAA]  }
0x31: {  	[smem:$0x3FB3] =	sst s10  }
0x32: {  	s10 =	sld [smem:$0x3FB1];
	_ =	sdelay $0x3  }
0x33: {  	p0 =	seq.s32 s10, $0x1;
	s10 =	sld [smem:$0x3FB3];
	_ =	sdelay $0x3  }
0x34: {  	[smem:$0x3FB3] =	sst s10  }
0x35: {  	s10 =	sld [smem:$0x3FB2];
	_ =	sdelay $0x3  }
0x36: {  	p1 =	seq.s32 s10, $0x1;
	s10 =	sld [smem:$0x3FB3];
	_ =	sdelay $0x3  }
0x37: {  	[smem:$0x3FB3] =	sst s10  }
0x38: {  	s10 =	sld [smem:$0x3FB4]  }
0x39: {  	_ = 	snop;
	(pc) =	sbr.ind lr, $3  }
0x3a: {  	_ = 	snop  }
0x3b: {  	_ = 	snop  }
0x3c: {  	p2 =	seq.s32 s10, $0x1;
	s10 =	sld [smem:$0x3FB3]  }
0x3d: {  	_ =	shalt  }
0x3e: {  	_ =	shalt  }
0x3f: {  	_ =	shalt  }
0x40: {  	_ =	shalt  }
0x41: {  	_ =	shalt  }
0x42: {  	_ =	shalt  }
0x43: {  	_ =	shalt  }
0x44: {  	_ =	shalt  }
0x45: {  	_ =	shalt  }
0x46: {  	_ =	shalt  }
0x47: {  	_ =	shalt  }
0x48: {  	_ =	shalt  }
0x49: {  	_ =	shalt  }
0x4a: {  	_ =	shalt  }
0x4b: {  	_ =	shalt  }
0x4c: {  	_ =	shalt  }
0x4d: {  	_ =	shalt  }
0x4e: {  	_ =	shalt  }
0x4f: {  	_ =	shalt  }
0x50: {  	_ =	shalt  }
0x51: {  	_ =	shalt  }
0x52: {  	_ =	shalt  }
0x53: {  	_ =	shalt  }
0x54: {  	_ =	shalt  }
0x55: {  	_ =	shalt  }
0x56: {  	_ =	shalt  }
0x57: {  	_ =	shalt  }
0x58: {  	_ =	shalt  }
0x59: {  	_ =	shalt  }
0x5a: {  	_ =	shalt  }
0x5b: {  	_ =	shalt  }
0x5c: {  	_ =	shalt  }
0x5d: {  	_ =	shalt  }
0x5e: {  	_ =	shalt  }
0x5f: {  	_ =	shalt  }
0x60: {  	_ =	shalt  }
0x61: {  	_ =	shalt  }
0x62: {  	_ =	shalt  }
0x63: {  	_ =	shalt  }
0x64: {  	_ =	shalt  }
0x65: {  	_ =	shalt  }
0x66: {  	_ =	shalt  }
0x67: {  	_ =	shalt  }
0x68: {  	_ =	shalt  }
0x69: {  	_ =	shalt  }
0x6a: {  	_ =	shalt  }
0x6b: {  	_ =	shalt  }
0x6c: {  	_ =	shalt  }
0x6d: {  	_ =	shalt  }
0x6e: {  	_ =	shalt  }
0x6f: {  	_ =	shalt  }
0x70: {  	_ =	shalt  }
0x71: {  	_ =	shalt  }
0x72: {  	_ =	shalt  }
0x73: {  	_ =	shalt  }
0x74: {  	_ =	shalt  }
0x75: {  	_ =	shalt  }
0x76: {  	_ =	shalt  }
0x77: {  	_ =	shalt  }
0x78: {  	_ =	shalt  }
0x79: {  	_ =	shalt  }
0x7a: {  	_ =	shalt  }
0x7b: {  	_ =	shalt  }
0x7c: {  	_ =	shalt  }
0x7d: {  	_ =	shalt  }
0x7e: {  	_ =	shalt  }
0x7f: {  	_ =	shalt  }
0x80: {  	_ =	shalt  }
0x81: {  	_ =	shalt  }
0x82: {  	_ =	shalt  }
0x83: {  	_ =	shalt  }
0x84: {  	_ =	shalt  }
0x85: {  	_ =	shalt  }
0x86: {  	_ =	shalt  }
0x87: {  	_ =	shalt  }
.Lfunc_end0:
.L_simem_size_0:
called_computation.3_lowered:
.L_overlay_start_0:
0x88: {  	s2 =	sld [smem:$0x3FD9]  }
0x89: {  	s3 =	sld [smem:$0x3FFE];
	_ =	sdelay $0x1  }
0x8a: {  	s1 =	srdreg.scid  }
0x8b: {  	s0 =	sand.u32 $0x1, s1  }
0x8c: {  	s17 =	sshll.u32 s0, $0xA;
	s2 =	sadd.s32 s3, s2  }
0x8d: {  	s2 =	sadd.s32 s2, s17  }
0x8e: {  	[smem:$0x3FBF] =	sst s2  }
0x8f: {  	_ = 	snop  }
0x90: {  	s2 =	sld [smem:$0x3FD0];
	(tm) =	ssettm $0x1  }
0x91: {  	s18 =	sld [smem:$0x3FFB];
	_ =	sdelay $0x3  }
0x92: {  	_ =	strace s18  }
0x93: {  	s3 =	sld [smem:$0x3FFC];
	_ =	sdelay $0x3  }
0x94: {  	_ =	strace s3  }
0x95: {  	s3 =	sld [smem:$0x3FFD];
	_ =	sdelay $0x3  }
0x96: {  	_ =	strace s3  }
0x97: {  	_ =	strace $0x8FFFFFFF  }
0x98: {  	s19 =	sld [smem:$0x3FDB];
	_ =	sdelay $0x1  }
0x99: {  	s4 =	simm.s32 $_scs_section_size  }
0x9a: {  	s5 =	simm.s32 $_size__tile_overlayer_lowered;
	s6 =	simm.s32 $_tile_overlayer_lowered  }
0x9b: {  	s22 =	simm.s32 $0x1BFF;
	s21 =	sshll.u32 s6, $0x1;
	s3 =	sadd.s32 s4, s19  }
0x9c: {  	s7 =	simm.s32 $0x0;
	s20 =	sshll.u32 s5, $0x1;
	s5 =	sadd.s32 s21, s3  }
0x9d: {  	[timem:s7], [sflag:s22] =	dma.local [hbm:s5], s20  }
0x9e: {  	_ =	swait.ge [sflag:s22], s20  }
0x9f: {  	s4 =	ssub.s32 $0x0, s20;
	[sflag:s22] =	ssyncset.done $0x0  }
0xa0: {  	[sflag:s22] =	ssyncadd.s32 s4;
	_ =	sdelay $0x1  }
0xa1: {  	s23 =	simm.s32 $0x1B8B  }
0xa2: {  	_ =	swait.ge [sflag:s23], $0x1  }
0xa3: {  	[sflag:s23] =	ssyncset.done $0x0  }
0xa4: {  	s25 =	simm.s32 $0x1B8E;
	s24 =	sld [smem:$0x3FFE];
	[sflag:s23] =	ssyncadd.s32 $0xFFFFFFFF  }
0xa5: {  	s26 =	simm.s32 $execute0_lowered;
	[smem:$0x3FD2] =	sst s25  }
0xa6: {  	s5 =	sshll.u32 s26, $0x1;
	_ =	strace $0x8000004F;
	[dreg:$0x1] =	wrdreg $0xFFFFFFFF  }
0xa7: {  	s28 =	simm.s32 $_size_execute0_lowered;
	s3 =	sadd.s32 s3, s5;
	[dreg:$0x0] =	wrdreg $0x0  }
0xa8: {  	s5 =	sshll.u32 s28, $0x1;
	[dreg:$0x2] =	wrdreg s3  }
0xa9: {  	[dreg:$0x3] =	wrdreg s5  }
0xaa: {  	[dreg:$0x4] =	wrdreg $0xC0  }
0xab: {  	_ =	task [dreg:s7], $0x5FFFF  }
0xac: {  	[dreg:$0x1] =	wrdreg $0xFFFFFFFF  }
0xad: {  	[dreg:$0x0] =	wrdreg $0x60  }
0xae: {  	[dreg:$0x2] =	wrdreg s24  }
0xaf: {  	[dreg:$0x3] =	wrdreg s2  }
0xb0: {  	[dreg:$0x4] =	wrdreg $0x41000  }
0xb1: {  	[dreg:$0x5] =	wrdreg $0x9  }
0xb2: {  	_ =	task.clear_ibuf [dreg:s7], $0x6FFFF;
	_ =	strace $0x9000004F  }
0xb3: {  	s29 =	simm.s32 $0x9;
	_ =	strace $0x80000051  }
0xb4: {  	_ =	swait.ge [sflag:s29], $0x1  }
0xb5: {  	[sflag:s29] =	ssyncadd.s32 $0xFFFFFFFF  }
0xb6: {  	_ =	strace $0x90000051  }
0xb7: {  	_ =	sfence  }
0xb8: {  	s30 =	sld [smem:$0x0];
	_ =	sdelay $0x2  }
0xb9: {  	s31 =	sshll.u32 s1, $0xD;
	s1 =	sshrl.u32 s1, $0x2  }
0xba: {  	s3 =	sand.u32 $0x4000, s31;
	s1 =	sadd.s32 s1, s30  }
0xbb: {  	s0 =	sor.u32 s3, s0;
	s1 =	sshll.u32 s1, $0x11  }
0xbc: {  	s0 =	sor.u32 s1, s0  }
0xbd: {  	s0 =	sadd.s32 $0x8F2B, s0  }
0xbe: {  	[sflag:s0] =	ssyncadd.remote.s32 $0x1  }
0xbf: {  	_ =	sfence.sel $0xFFFF  }
0xc0: {  	[dreg:$0x0] =	wrdreg $0xFFFFFFFF;
	(pc) =	sbr.abs _section_cstart, $3  }
0xc1: {  	[dreg:$0x1] =	wrdreg $0xFFFFFFFF  }
0xc2: {  	_ =	task.clear_ibuf [dreg:s7], $0x2FFFF;
	_ =	strace $0x9FFFFFFF  }
0xc3: {  	(tm) =	ssettm $0x7FFFFFFF  }
tec
execute0_lowered:
.L_overlay_start_1:
0x0: {  	(tag) =	ssettag $0x1  }
0x1: {  	s6 =	rddreg [dreg:$0x0]  }
0x2: {  	s2 =	rddreg [dreg:$0x1];
	s0 =	srdreg.scid  }
0x3: {  	s3 =	rddreg [dreg:$0x2];
	s1 =	stileid.u32  }
0x4: {  	s4 =	simm.s32 $0x0;
	s14 =	simm.s32 $0x100;
	s8 =	smul.u32 $0x14000, s1  }
0x5: {  	s15 =	simm.s32 $0x1;
	s16 =	simm.s32 $0x0;
	s10 =	smul.u32 $0x50000, s1  }
0x6: {  	s7 =	sand.u32 $0x1, s0;
	s0 =	rddreg [dreg:$0x3];
	s11 =	smul.u32 $0x500, s1  }
0x7: {  	[smem:$0x7FF] =	sst s4;
	s30 =	sshll.u32 s1, $0x6;
	s5 =	smul.u32 $0x140000, s7  }
0x8: {  	s9 =	smul.u32 $0x5000, s7;
	_ =	strace $0x80000050;
	s29 =	ssub.s32 $0x2, s7  }
0x9: {  	s7 =	sshrl.u32 s29, $0x1;
	s10 =	sshrl.u32 s10, $0x2;
	s5 =	sadd.s32 s8, s5  }
0xa: {  	s26 =	sadd.s32 s9, s6;
	s12 =	ssub.s32 s29, s7;
	s13 =	sadd.s32 s10, s3  }
0xb: {  	s28 =	sshrl.u32 s5, $0x3;
	s5 =	sadd.s32 $0xCC00, s6;
	s31 =	sadd.s32 s11, s26  }
0xc: {  	s8 =	smax.u32 s12, $0x1;
	s11 =	sshrl.u32 s13, $0x3;
	s12 =	simm.s32 $0x2  }
0xd: {  	s13 =	simm.s32 $0x80;
	s9 =	sadd.s32 s28, s6;
	s6 =	sor.u32 $0x1C02, s30  }
0xe: {  	s10 =	sadd.s32 $0x5F400, s31;
	s7 =	sadd.s32 $0xF400, s9;
	s9 =	sadd.s32 $0x2C00, s31  }
.LBB2_1:
0xf: {  	[spmem:s11], [sflag:s6] =	dma.local [hbm:s5], $0x2800  }
0x10: {  	_ =	swait.ge [sflag:s12], $0x2800  }
0x11: {  	[sflag:s12] =	ssyncset.done $0x0  }
0x12: {  	[sflag:s12] =	ssyncadd.s32 $0xFFFFD800  }
0x13: {  	s17 =	sadd.s32 $0x0, s10;
	[bflag:$0x0] =	sbarrier.arrive $0xFFFF  }
0x14: {  	[tilespmem:s4], [sflag:$0x2] =	stream.linear.gather [hbm4b:s17+s4], $0x80, $0x38;
	[tilespmem:$0x18100] =	vst v63  }
0x15: {  	_ =	swait.ge [sflag:s12], $0x80  }
0x16: {  	[sflag:s12] =	ssyncset.done $0x0  }
0x17: {  	[sflag:s12] =	ssyncadd.s32 $0xFFFFFF80  }
0x18: {  	[tilespmem:s14], [sflag:$0x1] =	stream.indirect.gather [hbm4b:s2+s13], $0x80, s4, s13, $0xb8;
	[tilespmem:$0x18100] =	vst v63  }
0x19: {  	_ =	swait.ge [sflag:s15], $0x4000  }
0x1a: {  	[sflag:s15] =	ssyncset.done $0x0  }
0x1b: {  	s31 =	sadd.s32 $0x0, s9;
	[sflag:s15] =	ssyncadd.s32 $0xFFFFC000  }
0x1c: {  	[tilespmem:s13], [sflag:$0x2] =	stream.linear.gather [hbm4b:s31+s4], $0x80, $0x38;
	[tilespmem:$0x18100] =	vst v63  }
0x1d: {  	_ =	swait.ge [sflag:s12], $0x80  }
0x1e: {  	[sflag:s12] =	ssyncset.done $0x0  }
0x1f: {  	[sflag:s12] =	ssyncadd.s32 $0xFFFFFF80  }
0x20: {  	[spmem:s3] =	stream.indirect.scatter.add.f32 [tilespmem:s14], [sflag:$0x2], $0x80, s13, s13, $0xb8;
	[tilespmem:$0x18100] =	vst v63  }
0x21: {  	_ =	swait.ge [sflag:s12], $0x4000  }
0x22: {  	s18 =	simm.s32 $0x20;
	s17 =	simm.s32 $0x10;
	[sflag:s12] =	ssyncset.done $0x0  }
.LBB2_2:
0x23: {  	s19 =	sadd.s32 s17, s10  }
0x24: {  	[sflag:s12] =	ssyncadd.s32 $0xFFFFC000;
	s20 =	smov.u32 s18;
	s21 =	sadd.s32 $0x10, s18  }
0x25: {  	[tilespmem:s4], [sflag:$0x2] =	stream.linear.gather [hbm4b:s19+s4], $0x80, $0x38;
	[tilespmem:$0x18100] =	vst v63  }
0x26: {  	p0 =	sne.s32 s18, $0x4F0;
	_ =	swait.ge [sflag:s12], $0x80  }
0x27: {  	[sflag:s12] =	ssyncset.done $0x0  }
0x28: {  	[sflag:s12] =	ssyncadd.s32 $0xFFFFFF80  }
0x29: {  	[tilespmem:s14], [sflag:$0x1] =	stream.indirect.gather [hbm4b:s2+s13], $0x80, s4, s13, $0xb8;
	[tilespmem:$0x18100] =	vst v63  }
0x2a: {  	_ =	swait.ge [sflag:s15], $0x4000  }
0x2b: {  	[sflag:s15] =	ssyncset.done $0x0  }
0x2c: {  	s18 =	sadd.s32 s17, s9;
	s17 =	smov.u32 s20;
	[sflag:s15] =	ssyncadd.s32 $0xFFFFC000  }
0x2d: {  	[tilespmem:s13], [sflag:$0x2] =	stream.linear.gather [hbm4b:s18+s4], $0x80, $0x38;
	[tilespmem:$0x18100] =	vst v63  }
0x2e: {  	_ =	swait.ge [sflag:s12], $0x80  }
.Ltmp0:
0x2f: {  	[sflag:s12] =	ssyncset.done $0x0;
	(pc) =	sbr.rel @p0 .LBB2_2-.Ltmp0, $4  }
0x30: {  	[sflag:s12] =	ssyncadd.s32 $0xFFFFFF80  }
0x31: {  	[spmem:s3] =	stream.indirect.scatter.add.f32 [tilespmem:s14], [sflag:$0x2], $0x80, s13, s13, $0xb8;
	[tilespmem:$0x18100] =	vst v63  }
0x32: {  	_ =	swait.ge [sflag:s12], $0x4000  }
0x33: {  	s18 =	smov.u32 s21;
	[sflag:s12] =	ssyncset.done $0x0  }
0x34: {  	s18 =	sadd.s32 s17, s10;
	[sflag:s12] =	ssyncadd.s32 $0xFFFFC000  }
0x35: {  	[tilespmem:s4], [sflag:$0x2] =	stream.linear.gather [hbm4b:s18+s4], $0x80, $0x38;
	[tilespmem:$0x18100] =	vst v63  }
0x36: {  	_ =	swait.ge [sflag:s12], $0x80  }
0x37: {  	[sflag:s12] =	ssyncset.done $0x0  }
0x38: {  	[sflag:s12] =	ssyncadd.s32 $0xFFFFFF80  }
0x39: {  	[tilespmem:s14], [sflag:$0x1] =	stream.indirect.gather [hbm4b:s2+s13], $0x80, s4, s13, $0xb8;
	[tilespmem:$0x18100] =	vst v63  }
0x3a: {  	_ =	swait.ge [sflag:s15], $0x4000  }
0x3b: {  	[sflag:s15] =	ssyncset.done $0x0  }
0x3c: {  	s31 =	sadd.s32 s17, s9;
	[sflag:s15] =	ssyncadd.s32 $0xFFFFC000  }
0x3d: {  	[tilespmem:s13], [sflag:$0x2] =	stream.linear.gather [hbm4b:s31+s4], $0x80, $0x38;
	[tilespmem:$0x18100] =	vst v63  }
0x3e: {  	_ =	swait.ge [sflag:s12], $0x80  }
0x3f: {  	[sflag:s12] =	ssyncset.done $0x0  }
0x40: {  	[sflag:s12] =	ssyncadd.s32 $0xFFFFFF80  }
0x41: {  	[spmem:s3] =	stream.indirect.scatter.add.f32 [tilespmem:s14], [sflag:$0x2], $0x80, s13, s13, $0xb8;
	[tilespmem:$0x18100] =	vst v63  }
0x42: {  	_ =	swait.ge [sflag:s12], $0x4000  }
0x43: {  	s16 =	sadd.s32 $0x1, s16;
	[sflag:s12] =	ssyncset.done $0x0  }
0x44: {  	p0 =	sne.s32 s16, s8;
	[sflag:s12] =	ssyncadd.s32 $0xFFFFC000  }
.Ltmp1:
0x45: {  	[bflag:$0x0] =	sbarrier.arrive $0xFFFF;
	(pc) =	sbr.rel @p0 .LBB2_1-.Ltmp1, $4  }
0x46: {  	[hbm:s7], [sflag:s6] =	dma.local [spmem:s11], $0x2800  }
0x47: {  	_ =	swait.ge [sflag:s12], $0x2800  }
0x48: {  	[sflag:s12] =	ssyncset.done $0x0  }
0x49: {  	[sflag:s12] =	ssyncadd.s32 $0xFFFFD800  }
0x4a: {  	_ =	sfence.sel $0x180000  }
0x4b: {  	[bflag:$0x0] =	sbarrier.arrive $0xFFFF  }
0x4c: {  	p0 =	sne.s32 s1, $0x0;
	_ =	strace $0x90000050  }
0x4d: {  	s0 =	sadd.s32 @!p0 $0x100000, s0;
	[bflag:$0x2] =	sbarrier.arrive $0xFFFF  }
0x4e: {  	[sflag:s0] =	ssyncadd.tile.s32 @!p0 $0x1;
	_ =	shalt  }
.Lfunc_end2:
_tile_overlayer_lowered:
.L_overlay_start_2:
0x4f: {  	(tag) =	ssettag $0x2  }
0x50: {  	s0 =	rddreg [dreg:$0x0];
	s2 =	stileid.u32  }
0x51: {  	s1 =	rddreg [dreg:$0x1];
	p0 =	sne.s32 s2, $0x0  }
0x52: {  	s3 =	rddreg [dreg:$0x2];
	[bflag:$0x3] =	sbarrier.arrive $0xFFFF;
	s2 =	simm.s32 @!p0 $0x1C02  }
0x53: {  	[timem:s3], [sflag:s2] =	dma.local @!p0 [hbm:s0], s1  }
0x54: {  	s0 =	simm.s32 @!p0 $0x2  }
0x55: {  	_ =	swait.ge @!p0 [sflag:s0], s1  }
0x56: {  	s1 =	ssub.s32 @!p0 $0x0, s1;
	[sflag:s0] =	ssyncset.done @!p0 $0x0  }
0x57: {  	[sflag:s0] =	ssyncadd.s32 @!p0 s1  }
0x58: {  	[bflag:$0x3] =	sbarrier.arrive $0xFFFF  }
0x59: {  	_ =	shalt  }

</sc_bundles>
